<compile_context>
chip_gen: v7x
topology: tpu7x:2x2x1
jax: 0.10.2.dev20260603
libtpu: 0.0.44.dev20260713+nightly
codegen_flags: <defaults>
</compile_context>

<pallas_src>
import functools

import jax
import jax.numpy as jnp
from jax import lax
from jax.experimental import pallas as pl
from jax.experimental.pallas import tpu as pltpu
from jax.experimental.pallas import tpu_sc as plsc

_B = 16
_L = 16
_NW = 32
_LANE = 128


def _sc_pool(N, D, E, idt, fdt, bdt):
    x_rows = N // _NW // 8 * 8
    x_rem = N - x_rows * _NW
    x_chunk = x_rows // 3
    assert x_chunk % 8 == 0 and x_chunk * 3 == x_rows and x_rem <= x_chunk

    ei_cols = E // _LANE // _NW * _LANE
    ei_rem = E - ei_cols * _NW
    ei_chunk = ei_cols // 3
    assert ei_chunk % _LANE == 0 and ei_rem <= ei_chunk

    t1 = 256
    t_fin = N % _LANE
    n_extra = (N - t1 * _NW - t_fin) // _LANE
    assert 0 <= n_extra <= _NW and (N - t_fin) % _LANE == 0

    b_span = 384
    nb_tiles = (N - t_fin) // b_span
    b_tail0 = nb_tiles * b_span
    assert nb_tiles <= _NW and b_tail0 % 8 == 0 and N - b_tail0 + _B <= b_span + _B

    mesh = plsc.VectorSubcoreMesh(core_axis_name="c", subcore_axis_name="s")

    @functools.partial(
        pl.kernel,
        out_type=(
            jax.ShapeDtypeStruct((N + _B, D), fdt),
            jax.ShapeDtypeStruct((2, E + N), idt),
            jax.ShapeDtypeStruct((N + _B,), bdt),
        ),
        mesh=mesh,
        scratch_types=(
            pltpu.VMEM((x_chunk, D), fdt),
            pltpu.VMEM((2, ei_chunk), idt),
            pltpu.VMEM((_B, D), fdt),
            pltpu.VMEM((2, t1), idt),
            pltpu.VMEM((t1,), bdt),
            pltpu.VMEM((b_span + _B,), bdt),
        ),
    )
    def vng_pool(x_hbm, ei_hbm, b_hbm,
                 xo_hbm, eio_hbm, bo_hbm,
                 x_v, ei_v, zx_v, t2_v, bc_v, bs_v):
        w = lax.axis_index("s") * 2 + lax.axis_index("c")

        for k in range(x_rows // x_chunk):
            xr0 = w * x_rows + k * x_chunk
            pltpu.sync_copy(x_hbm.at[pl.ds(xr0, x_chunk), :], x_v)
            pltpu.sync_copy(x_v, xo_hbm.at[pl.ds(xr0, x_chunk), :])

        for k in range(ei_cols // ei_chunk):
            c0 = w * ei_cols + k * ei_chunk
            pltpu.sync_copy(ei_hbm.at[:, pl.ds(c0, ei_chunk)], ei_v)
            pltpu.sync_copy(ei_v, eio_hbm.at[:, pl.ds(c0, ei_chunk)])

        @pl.when(w < nb_tiles)
        def _():
            bb0 = w * b_span
            pltpu.sync_copy(b_hbm.at[pl.ds(bb0, b_span)],
                            bs_v.at[pl.ds(0, b_span)])
            pltpu.sync_copy(bs_v.at[pl.ds(0, b_span)],
                            bo_hbm.at[pl.ds(bb0, b_span)])

        def ei_tail(col0, cols):
            pltpu.sync_copy(b_hbm.at[pl.ds(col0, cols)], bc_v.at[pl.ds(0, cols)])

            def tfill(g, carry):
                t2_v[0, pl.ds(g * _L, _L)] = lax.iota(idt, _L) + (col0 + g * _L)
                t2_v[1, pl.ds(g * _L, _L)] = bc_v[pl.ds(g * _L, _L)] + N
                return carry
            lax.fori_loop(0, cols // _L, tfill, 0)
            pltpu.sync_copy(t2_v.at[:, pl.ds(0, cols)],
                            eio_hbm.at[:, pl.ds(E + col0, cols)])

        ei_tail(w * t1, t1)

        @pl.when(w < n_extra)
        def _():
            ei_tail(_NW * t1 + w * _LANE, _LANE)

        @pl.when(w == 21)
        def _():
            cr0 = _NW * ei_cols
            pltpu.sync_copy(ei_hbm.at[:, pl.ds(cr0, ei_rem)],
                            ei_v.at[:, pl.ds(0, ei_rem)])
            pltpu.sync_copy(ei_v.at[:, pl.ds(0, ei_rem)],
                            eio_hbm.at[:, pl.ds(cr0, ei_rem)])

        @pl.when(w == 25)
        def _():
            nfin = N - b_tail0
            pltpu.sync_copy(b_hbm.at[pl.ds(b_tail0, nfin)],
                            bs_v.at[pl.ds(0, nfin)])
            bs_v[pl.ds(nfin, _B)] = lax.iota(bdt, _B)
            pltpu.sync_copy(bs_v.at[pl.ds(0, nfin + _B)],
                            bo_hbm.at[pl.ds(b_tail0, nfin + _B)])

        @pl.when(w == 0)
        def _():
            pltpu.sync_copy(x_hbm.at[pl.ds(_NW * x_rows, x_rem), :],
                            x_v.at[pl.ds(0, x_rem), :])
            pltpu.sync_copy(x_v.at[pl.ds(0, x_rem), :],
                            xo_hbm.at[pl.ds(_NW * x_rows, x_rem), :])

        @pl.when(w == 4)
        def _():
            def zxfill(r, carry):
                for k in range(D // _L):
                    zx_v[r, pl.ds(k * _L, _L)] = jnp.zeros((_L,), fdt)
                return carry
            lax.fori_loop(0, _B, zxfill, 0)
            pltpu.sync_copy(zx_v, xo_hbm.at[pl.ds(N, _B), :])

    return vng_pool


def _tc_ea(E, N, DE, fdt, blk_rows):
    copy_rows = E * DE // _LANE
    all_rows = (E + N) * DE // _LANE
    assert copy_rows % blk_rows == 0 and blk_rows % 8 == 0
    n_copy = copy_rows // blk_rows
    n_blocks = -(-all_rows // blk_rows)

    def body(in_ref, o_ref):
        i = pl.program_id(0)

        @pl.when(i < n_copy)
        def _():
            o_ref[...] = in_ref[...]

        @pl.when(i >= n_copy)
        def _():
            o_ref[...] = jnp.zeros((blk_rows, _LANE), fdt)

    return pl.pallas_call(
        body,
        grid=(n_blocks,),
        in_specs=[pl.BlockSpec((blk_rows, _LANE),
                               lambda i: (jnp.minimum(i, n_copy - 1), 0))],
        out_specs=pl.BlockSpec((blk_rows, _LANE), lambda i: (i, 0)),
        out_shape=jax.ShapeDtypeStruct((all_rows, _LANE), fdt),
    )


def kernel(x, edge_index, edge_attribute, batch):
    N, D = x.shape
    E, DE = edge_attribute.shape
    idt = edge_index.dtype

    assert DE == _L and D % _L == 0 and _B == _L
    assert E % _LANE == 0 and N % _L == 0

    assert (E * DE) % _LANE == 0 and (N * DE) % _LANE == 0
    ea_flat = edge_attribute.reshape(E * DE // _LANE, _LANE)
    ea_out = _tc_ea(E, N, DE, edge_attribute.dtype, 2000)(ea_flat)
    ea_out = ea_out.reshape(E + N, DE)

    x_out, ei_out, b_out = _sc_pool(
        N, D, E, idt, x.dtype, batch.dtype)(x, edge_index, batch)

    t_fin = N % _LANE
    n_blocks = (E + N + _LANE - 1) // _LANE
    tail_vals = jnp.concatenate(
        [batch[N - t_fin:], jnp.zeros((_LANE - t_fin,), batch.dtype)]
    ).reshape(1, 1, _LANE).astype(idt)
    blk0 = (n_blocks - 1) * _LANE

    def patch_body(bt_ref, ei_ref, o_ref):
        del ei_ref
        lane = lax.broadcasted_iota(idt, (1, _LANE), 1)
        head = (blk0 - E) + lane
        virt = bt_ref[0] + N
        o_ref[...] = jnp.concatenate([head, virt], axis=0)

    ei_out = pl.pallas_call(
        patch_body,
        grid=(1,),
        in_specs=[pl.BlockSpec((1, 1, _LANE), lambda i: (0, 0, 0)),
                  pl.BlockSpec(memory_space=pltpu.MemorySpace.HBM)],
        out_specs=pl.BlockSpec((2, _LANE), lambda i: (0, n_blocks - 1)),
        out_shape=jax.ShapeDtypeStruct((2, E + N), idt),
        input_output_aliases={1: 0},
    )(tail_vals, ei_out)

    return x_out, ei_out, ea_out, b_out

# --- scband reference (transcript-rebuilt; emitter-appended) ---
"""Pipeline reference for scband-virtual-node-graph-pooler-19146964205613 (READ-ONLY COPY).

The authoritative reference and input builder live on the scoring server;
editing this copy changes nothing except your own understanding.
"""

import jax, jax.numpy as jnp
import numpy as np


def setup_inputs(seed: int = 0) -> dict:
    key = jax.random.key(seed)
    k1, k2, k3, k4 = jax.random.split(key, 4)
    N = 10000
    E = 320000
    D = 128
    DE = 16
    B = 16
    x = jax.random.normal(k1, (N, D), dtype=jnp.float32)
    edge_index = jax.random.randint(k2, (2, E), 0, N)
    edge_attribute = jax.random.normal(k3, (E, DE), dtype=jnp.float32)
    # sorted segment ids; guarantee every graph id 0..B-1 appears at least once
    tail = jax.random.randint(k4, (N - B,), 0, B)
    batch = jnp.sort(jnp.concatenate([jnp.arange(B, dtype=tail.dtype), tail]))
    return {"x": x, "edge_index": edge_index, "edge_attribute": edge_attribute, "batch": batch}


def reference(x, edge_index, edge_attribute, batch):
    B = 16
    num_nodes = x.shape[0]
    unique_batch = jnp.unique(batch, size=B)
    head_row = jnp.arange(num_nodes, dtype=edge_index.dtype)
    virtual_row = num_nodes + batch.astype(edge_index.dtype)
    added_edge_index = jnp.stack([head_row, virtual_row])
    x_out = jnp.vstack([x, jnp.zeros((B, x.shape[1]), dtype=x.dtype)])
    edge_index_out = jnp.hstack([edge_index, added_edge_index])
    edge_attribute_out = jnp.vstack(
        [edge_attribute, jnp.zeros((num_nodes, edge_attribute.shape[1]), dtype=edge_attribute.dtype)]
    )
    batch_out = jnp.concatenate([batch, unique_batch])
    return (x_out, edge_index_out, edge_attribute_out, batch_out)

if __name__ == "__main__":
    import jax
    _d = setup_inputs()
    print(jax.jit(kernel)(*tuple(_d.values())))

</pallas_src>

<mosaic_0001>
#map = affine_map<(d0, d1) -> (0, 0)>
#map1 = affine_map<(d0, d1) -> (0)>
module attributes {stable_mosaic.version = 14 : i64} {
  func.func @vng_pool(%arg0: i32, %arg1: i32, %arg2: memref<10000x128xf32, #tpu.memory_space<hbm>>, %arg3: memref<2x320000xi32, #tpu.memory_space<hbm>>, %arg4: memref<10000xi32, #tpu.memory_space<hbm>>, %arg5: memref<10016x128xf32, #tpu.memory_space<hbm>>, %arg6: memref<2x330000xi32, #tpu.memory_space<hbm>>, %arg7: memref<10016xi32, #tpu.memory_space<hbm>>, %arg8: memref<104x128xf32, #tpu.memory_space<vmem>>, %arg9: memref<2x3328xi32, #tpu.memory_space<vmem>>, %arg10: memref<16x128xf32, #tpu.memory_space<vmem>>, %arg11: memref<2x256xi32, #tpu.memory_space<vmem>>, %arg12: memref<256xi32, #tpu.memory_space<vmem>>, %arg13: memref<400xi32, #tpu.memory_space<vmem>>) attributes {dimension_semantics = [#tpu.dimension_semantics<core_parallel>, #tpu.dimension_semantics<subcore_parallel>], iteration_bounds = array<i64: 2, 16>, scalar_prefetch = 0 : i64, scratch_operands = 6 : i64, tpu.core_type = #tpu.core_type<sc_vector_subcore>, window_params = [{transform_indices = #map}, {transform_indices = #map}, {transform_indices = #map1}, {transform_indices = #map}, {transform_indices = #map}, {transform_indices = #map1}]} {
    %mul3A = arith.constant 2 : i32
    %mul3A_0 = arith.muli %arg1, %mul3A : i32
    %add3A = arith.addi %mul3A_0, %arg0 : i32
    %mul3A_1 = arith.constant 312 : i32
    %mul3A_2 = arith.muli %add3A, %mul3A_1 : i32
    %add3A_3 = arith.constant 0 : i32
    %add3A_4 = arith.addi %mul3A_2, %add3A_3 : i32
    "tpu.region"() ({
      %run_scoped3A = tpu.sem_alloc : memref<!tpu.dma_semaphore, #tpu.memory_space<semaphore_mem>>
      %dma_start3A = arith.constant 0 : i32
      %dma_start3A_60 = tpu.memref_slice %arg2[%add3A_4, %dma_start3A] : memref<10000x128xf32, #tpu.memory_space<hbm>> -> memref<104x128xf32, #tpu.memory_space<hbm>>
      %dma_start3A_61 = arith.constant 0 : i32
      %dma_start3A_62 = tpu.memref_slice %arg2[%add3A_4, %dma_start3A_61] : memref<10000x128xf32, #tpu.memory_space<hbm>> -> memref<104x128xf32, #tpu.memory_space<hbm>>
      tpu.enqueue_dma source(%dma_start3A_62 : memref<104x128xf32, #tpu.memory_space<hbm>>) target(%arg8 : memref<104x128xf32, #tpu.memory_space<vmem>>) target_semaphore(%run_scoped3A : memref<!tpu.dma_semaphore, #tpu.memory_space<semaphore_mem>>)
      %dma_wait3A = arith.constant 0 : i32
      %dma_wait3A_63 = tpu.memref_slice %arg2[%add3A_4, %dma_wait3A] : memref<10000x128xf32, #tpu.memory_space<hbm>> -> memref<104x128xf32, #tpu.memory_space<hbm>>
      %dma_wait3A_64 = arith.constant 0 : i32
      %dma_wait3A_65 = tpu.memref_slice %arg2[%add3A_4, %dma_wait3A_64] : memref<10000x128xf32, #tpu.memory_space<hbm>> -> memref<104x128xf32, #tpu.memory_space<hbm>>
      tpu.wait_dma2 semaphore(%run_scoped3A : memref<!tpu.dma_semaphore, #tpu.memory_space<semaphore_mem>>) src(%dma_wait3A_65 : memref<104x128xf32, #tpu.memory_space<hbm>>) dst(%arg8 : memref<104x128xf32, #tpu.memory_space<vmem>>)
      tpu.yield
    }) : () -> ()
    "tpu.region"() ({
      %run_scoped3A = tpu.sem_alloc : memref<!tpu.dma_semaphore, #tpu.memory_space<semaphore_mem>>
      %dma_start3A = arith.constant 0 : i32
      %dma_start3A_60 = tpu.memref_slice %arg5[%add3A_4, %dma_start3A] : memref<10016x128xf32, #tpu.memory_space<hbm>> -> memref<104x128xf32, #tpu.memory_space<hbm>>
      %dma_start3A_61 = arith.constant 0 : i32
      %dma_start3A_62 = tpu.memref_slice %arg5[%add3A_4, %dma_start3A_61] : memref<10016x128xf32, #tpu.memory_space<hbm>> -> memref<104x128xf32, #tpu.memory_space<hbm>>
      tpu.enqueue_dma source(%arg8 : memref<104x128xf32, #tpu.memory_space<vmem>>) target(%dma_start3A_62 : memref<104x128xf32, #tpu.memory_space<hbm>>) target_semaphore(%run_scoped3A : memref<!tpu.dma_semaphore, #tpu.memory_space<semaphore_mem>>)
      %dma_wait3A = arith.constant 0 : i32
      %dma_wait3A_63 = tpu.memref_slice %arg5[%add3A_4, %dma_wait3A] : memref<10016x128xf32, #tpu.memory_space<hbm>> -> memref<104x128xf32, #tpu.memory_space<hbm>>
      %dma_wait3A_64 = arith.constant 0 : i32
      %dma_wait3A_65 = tpu.memref_slice %arg5[%add3A_4, %dma_wait3A_64] : memref<10016x128xf32, #tpu.memory_space<hbm>> -> memref<104x128xf32, #tpu.memory_space<hbm>>
      tpu.wait_dma2 semaphore(%run_scoped3A : memref<!tpu.dma_semaphore, #tpu.memory_space<semaphore_mem>>) src(%arg8 : memref<104x128xf32, #tpu.memory_space<vmem>>) dst(%dma_wait3A_65 : memref<104x128xf32, #tpu.memory_space<hbm>>)
      tpu.yield
    }) : () -> ()
    %mul3A_5 = arith.constant 312 : i32
    %mul3A_6 = arith.muli %add3A, %mul3A_5 : i32
    %add3A_7 = arith.constant 104 : i32
    %add3A_8 = arith.addi %mul3A_6, %add3A_7 : i32
    "tpu.region"() ({
      %run_scoped3A = tpu.sem_alloc : memref<!tpu.dma_semaphore, #tpu.memory_space<semaphore_mem>>
      %dma_start3A = arith.constant 0 : i32
      %dma_start3A_60 = tpu.memref_slice %arg2[%add3A_8, %dma_start3A] : memref<10000x128xf32, #tpu.memory_space<hbm>> -> memref<104x128xf32, #tpu.memory_space<hbm>>
      %dma_start3A_61 = arith.constant 0 : i32
      %dma_start3A_62 = tpu.memref_slice %arg2[%add3A_8, %dma_start3A_61] : memref<10000x128xf32, #tpu.memory_space<hbm>> -> memref<104x128xf32, #tpu.memory_space<hbm>>
      tpu.enqueue_dma source(%dma_start3A_62 : memref<104x128xf32, #tpu.memory_space<hbm>>) target(%arg8 : memref<104x128xf32, #tpu.memory_space<vmem>>) target_semaphore(%run_scoped3A : memref<!tpu.dma_semaphore, #tpu.memory_space<semaphore_mem>>)
      %dma_wait3A = arith.constant 0 : i32
      %dma_wait3A_63 = tpu.memref_slice %arg2[%add3A_8, %dma_wait3A] : memref<10000x128xf32, #tpu.memory_space<hbm>> -> memref<104x128xf32, #tpu.memory_space<hbm>>
      %dma_wait3A_64 = arith.constant 0 : i32
      %dma_wait3A_65 = tpu.memref_slice %arg2[%add3A_8, %dma_wait3A_64] : memref<10000x128xf32, #tpu.memory_space<hbm>> -> memref<104x128xf32, #tpu.memory_space<hbm>>
      tpu.wait_dma2 semaphore(%run_scoped3A : memref<!tpu.dma_semaphore, #tpu.memory_space<semaphore_mem>>) src(%dma_wait3A_65 : memref<104x128xf32, #tpu.memory_space<hbm>>) dst(%arg8 : memref<104x128xf32, #tpu.memory_space<vmem>>)
      tpu.yield
    }) : () -> ()
    "tpu.region"() ({
      %run_scoped3A = tpu.sem_alloc : memref<!tpu.dma_semaphore, #tpu.memory_space<semaphore_mem>>
      %dma_start3A = arith.constant 0 : i32
      %dma_start3A_60 = tpu.memref_slice %arg5[%add3A_8, %dma_start3A] : memref<10016x128xf32, #tpu.memory_space<hbm>> -> memref<104x128xf32, #tpu.memory_space<hbm>>
      %dma_start3A_61 = arith.constant 0 : i32
      %dma_start3A_62 = tpu.memref_slice %arg5[%add3A_8, %dma_start3A_61] : memref<10016x128xf32, #tpu.memory_space<hbm>> -> memref<104x128xf32, #tpu.memory_space<hbm>>
      tpu.enqueue_dma source(%arg8 : memref<104x128xf32, #tpu.memory_space<vmem>>) target(%dma_start3A_62 : memref<104x128xf32, #tpu.memory_space<hbm>>) target_semaphore(%run_scoped3A : memref<!tpu.dma_semaphore, #tpu.memory_space<semaphore_mem>>)
      %dma_wait3A = arith.constant 0 : i32
      %dma_wait3A_63 = tpu.memref_slice %arg5[%add3A_8, %dma_wait3A] : memref<10016x128xf32, #tpu.memory_space<hbm>> -> memref<104x128xf32, #tpu.memory_space<hbm>>
      %dma_wait3A_64 = arith.constant 0 : i32
      %dma_wait3A_65 = tpu.memref_slice %arg5[%add3A_8, %dma_wait3A_64] : memref<10016x128xf32, #tpu.memory_space<hbm>> -> memref<104x128xf32, #tpu.memory_space<hbm>>
      tpu.wait_dma2 semaphore(%run_scoped3A : memref<!tpu.dma_semaphore, #tpu.memory_space<semaphore_mem>>) src(%arg8 : memref<104x128xf32, #tpu.memory_space<vmem>>) dst(%dma_wait3A_65 : memref<104x128xf32, #tpu.memory_space<hbm>>)
      tpu.yield
    }) : () -> ()
    %mul3A_9 = arith.constant 312 : i32
    %mul3A_10 = arith.muli %add3A, %mul3A_9 : i32
    %add3A_11 = arith.constant 208 : i32
    %add3A_12 = arith.addi %mul3A_10, %add3A_11 : i32
    "tpu.region"() ({
      %run_scoped3A = tpu.sem_alloc : memref<!tpu.dma_semaphore, #tpu.memory_space<semaphore_mem>>
      %dma_start3A = arith.constant 0 : i32
      %dma_start3A_60 = tpu.memref_slice %arg2[%add3A_12, %dma_start3A] : memref<10000x128xf32, #tpu.memory_space<hbm>> -> memref<104x128xf32, #tpu.memory_space<hbm>>
      %dma_start3A_61 = arith.constant 0 : i32
      %dma_start3A_62 = tpu.memref_slice %arg2[%add3A_12, %dma_start3A_61] : memref<10000x128xf32, #tpu.memory_space<hbm>> -> memref<104x128xf32, #tpu.memory_space<hbm>>
      tpu.enqueue_dma source(%dma_start3A_62 : memref<104x128xf32, #tpu.memory_space<hbm>>) target(%arg8 : memref<104x128xf32, #tpu.memory_space<vmem>>) target_semaphore(%run_scoped3A : memref<!tpu.dma_semaphore, #tpu.memory_space<semaphore_mem>>)
      %dma_wait3A = arith.constant 0 : i32
      %dma_wait3A_63 = tpu.memref_slice %arg2[%add3A_12, %dma_wait3A] : memref<10000x128xf32, #tpu.memory_space<hbm>> -> memref<104x128xf32, #tpu.memory_space<hbm>>
      %dma_wait3A_64 = arith.constant 0 : i32
      %dma_wait3A_65 = tpu.memref_slice %arg2[%add3A_12, %dma_wait3A_64] : memref<10000x128xf32, #tpu.memory_space<hbm>> -> memref<104x128xf32, #tpu.memory_space<hbm>>
      tpu.wait_dma2 semaphore(%run_scoped3A : memref<!tpu.dma_semaphore, #tpu.memory_space<semaphore_mem>>) src(%dma_wait3A_65 : memref<104x128xf32, #tpu.memory_space<hbm>>) dst(%arg8 : memref<104x128xf32, #tpu.memory_space<vmem>>)
      tpu.yield
    }) : () -> ()
    "tpu.region"() ({
      %run_scoped3A = tpu.sem_alloc : memref<!tpu.dma_semaphore, #tpu.memory_space<semaphore_mem>>
      %dma_start3A = arith.constant 0 : i32
      %dma_start3A_60 = tpu.memref_slice %arg5[%add3A_12, %dma_start3A] : memref<10016x128xf32, #tpu.memory_space<hbm>> -> memref<104x128xf32, #tpu.memory_space<hbm>>
      %dma_start3A_61 = arith.constant 0 : i32
      %dma_start3A_62 = tpu.memref_slice %arg5[%add3A_12, %dma_start3A_61] : memref<10016x128xf32, #tpu.memory_space<hbm>> -> memref<104x128xf32, #tpu.memory_space<hbm>>
      tpu.enqueue_dma source(%arg8 : memref<104x128xf32, #tpu.memory_space<vmem>>) target(%dma_start3A_62 : memref<104x128xf32, #tpu.memory_space<hbm>>) target_semaphore(%run_scoped3A : memref<!tpu.dma_semaphore, #tpu.memory_space<semaphore_mem>>)
      %dma_wait3A = arith.constant 0 : i32
      %dma_wait3A_63 = tpu.memref_slice %arg5[%add3A_12, %dma_wait3A] : memref<10016x128xf32, #tpu.memory_space<hbm>> -> memref<104x128xf32, #tpu.memory_space<hbm>>
      %dma_wait3A_64 = arith.constant 0 : i32
      %dma_wait3A_65 = tpu.memref_slice %arg5[%add3A_12, %dma_wait3A_64] : memref<10016x128xf32, #tpu.memory_space<hbm>> -> memref<104x128xf32, #tpu.memory_space<hbm>>
      tpu.wait_dma2 semaphore(%run_scoped3A : memref<!tpu.dma_semaphore, #tpu.memory_space<semaphore_mem>>) src(%arg8 : memref<104x128xf32, #tpu.memory_space<vmem>>) dst(%dma_wait3A_65 : memref<104x128xf32, #tpu.memory_space<hbm>>)
      tpu.yield
    }) : () -> ()
    %mul3A_13 = arith.constant 9984 : i32
    %mul3A_14 = arith.muli %add3A, %mul3A_13 : i32
    %add3A_15 = arith.constant 0 : i32
    %add3A_16 = arith.addi %mul3A_14, %add3A_15 : i32
    "tpu.region"() ({
      %run_scoped3A = tpu.sem_alloc : memref<!tpu.dma_semaphore, #tpu.memory_space<semaphore_mem>>
      %dma_start3A = arith.constant 0 : i32
      %dma_start3A_60 = tpu.memref_slice %arg3[%dma_start3A, %add3A_16] : memref<2x320000xi32, #tpu.memory_space<hbm>> -> memref<2x3328xi32, #tpu.memory_space<hbm>>
      %dma_start3A_61 = arith.constant 0 : i32
      %dma_start3A_62 = tpu.memref_slice %arg3[%dma_start3A_61, %add3A_16] : memref<2x320000xi32, #tpu.memory_space<hbm>> -> memref<2x3328xi32, #tpu.memory_space<hbm>>
      tpu.enqueue_dma source(%dma_start3A_62 : memref<2x3328xi32, #tpu.memory_space<hbm>>) target(%arg9 : memref<2x3328xi32, #tpu.memory_space<vmem>>) target_semaphore(%run_scoped3A : memref<!tpu.dma_semaphore, #tpu.memory_space<semaphore_mem>>)
      %dma_wait3A = arith.constant 0 : i32
      %dma_wait3A_63 = tpu.memref_slice %arg3[%dma_wait3A, %add3A_16] : memref<2x320000xi32, #tpu.memory_space<hbm>> -> memref<2x3328xi32, #tpu.memory_space<hbm>>
      %dma_wait3A_64 = arith.constant 0 : i32
      %dma_wait3A_65 = tpu.memref_slice %arg3[%dma_wait3A_64, %add3A_16] : memref<2x320000xi32, #tpu.memory_space<hbm>> -> memref<2x3328xi32, #tpu.memory_space<hbm>>
      tpu.wait_dma2 semaphore(%run_scoped3A : memref<!tpu.dma_semaphore, #tpu.memory_space<semaphore_mem>>) src(%dma_wait3A_65 : memref<2x3328xi32, #tpu.memory_space<hbm>>) dst(%arg9 : memref<2x3328xi32, #tpu.memory_space<vmem>>)
      tpu.yield
    }) : () -> ()
    "tpu.region"() ({
      %run_scoped3A = tpu.sem_alloc : memref<!tpu.dma_semaphore, #tpu.memory_space<semaphore_mem>>
      %dma_start3A = arith.constant 0 : i32
      %dma_start3A_60 = tpu.memref_slice %arg6[%dma_start3A, %add3A_16] : memref<2x330000xi32, #tpu.memory_space<hbm>> -> memref<2x3328xi32, #tpu.memory_space<hbm>>
      %dma_start3A_61 = arith.constant 0 : i32
      %dma_start3A_62 = tpu.memref_slice %arg6[%dma_start3A_61, %add3A_16] : memref<2x330000xi32, #tpu.memory_space<hbm>> -> memref<2x3328xi32, #tpu.memory_space<hbm>>
      tpu.enqueue_dma source(%arg9 : memref<2x3328xi32, #tpu.memory_space<vmem>>) target(%dma_start3A_62 : memref<2x3328xi32, #tpu.memory_space<hbm>>) target_semaphore(%run_scoped3A : memref<!tpu.dma_semaphore, #tpu.memory_space<semaphore_mem>>)
      %dma_wait3A = arith.constant 0 : i32
      %dma_wait3A_63 = tpu.memref_slice %arg6[%dma_wait3A, %add3A_16] : memref<2x330000xi32, #tpu.memory_space<hbm>> -> memref<2x3328xi32, #tpu.memory_space<hbm>>
      %dma_wait3A_64 = arith.constant 0 : i32
      %dma_wait3A_65 = tpu.memref_slice %arg6[%dma_wait3A_64, %add3A_16] : memref<2x330000xi32, #tpu.memory_space<hbm>> -> memref<2x3328xi32, #tpu.memory_space<hbm>>
      tpu.wait_dma2 semaphore(%run_scoped3A : memref<!tpu.dma_semaphore, #tpu.memory_space<semaphore_mem>>) src(%arg9 : memref<2x3328xi32, #tpu.memory_space<vmem>>) dst(%dma_wait3A_65 : memref<2x3328xi32, #tpu.memory_space<hbm>>)
      tpu.yield
    }) : () -> ()
    %mul3A_17 = arith.constant 9984 : i32
    %mul3A_18 = arith.muli %add3A, %mul3A_17 : i32
    %add3A_19 = arith.constant 3328 : i32
    %add3A_20 = arith.addi %mul3A_18, %add3A_19 : i32
    "tpu.region"() ({
      %run_scoped3A = tpu.sem_alloc : memref<!tpu.dma_semaphore, #tpu.memory_space<semaphore_mem>>
      %dma_start3A = arith.constant 0 : i32
      %dma_start3A_60 = tpu.memref_slice %arg3[%dma_start3A, %add3A_20] : memref<2x320000xi32, #tpu.memory_space<hbm>> -> memref<2x3328xi32, #tpu.memory_space<hbm>>
      %dma_start3A_61 = arith.constant 0 : i32
      %dma_start3A_62 = tpu.memref_slice %arg3[%dma_start3A_61, %add3A_20] : memref<2x320000xi32, #tpu.memory_space<hbm>> -> memref<2x3328xi32, #tpu.memory_space<hbm>>
      tpu.enqueue_dma source(%dma_start3A_62 : memref<2x3328xi32, #tpu.memory_space<hbm>>) target(%arg9 : memref<2x3328xi32, #tpu.memory_space<vmem>>) target_semaphore(%run_scoped3A : memref<!tpu.dma_semaphore, #tpu.memory_space<semaphore_mem>>)
      %dma_wait3A = arith.constant 0 : i32
      %dma_wait3A_63 = tpu.memref_slice %arg3[%dma_wait3A, %add3A_20] : memref<2x320000xi32, #tpu.memory_space<hbm>> -> memref<2x3328xi32, #tpu.memory_space<hbm>>
      %dma_wait3A_64 = arith.constant 0 : i32
      %dma_wait3A_65 = tpu.memref_slice %arg3[%dma_wait3A_64, %add3A_20] : memref<2x320000xi32, #tpu.memory_space<hbm>> -> memref<2x3328xi32, #tpu.memory_space<hbm>>
      tpu.wait_dma2 semaphore(%run_scoped3A : memref<!tpu.dma_semaphore, #tpu.memory_space<semaphore_mem>>) src(%dma_wait3A_65 : memref<2x3328xi32, #tpu.memory_space<hbm>>) dst(%arg9 : memref<2x3328xi32, #tpu.memory_space<vmem>>)
      tpu.yield
    }) : () -> ()
    "tpu.region"() ({
      %run_scoped3A = tpu.sem_alloc : memref<!tpu.dma_semaphore, #tpu.memory_space<semaphore_mem>>
      %dma_start3A = arith.constant 0 : i32
      %dma_start3A_60 = tpu.memref_slice %arg6[%dma_start3A, %add3A_20] : memref<2x330000xi32, #tpu.memory_space<hbm>> -> memref<2x3328xi32, #tpu.memory_space<hbm>>
      %dma_start3A_61 = arith.constant 0 : i32
      %dma_start3A_62 = tpu.memref_slice %arg6[%dma_start3A_61, %add3A_20] : memref<2x330000xi32, #tpu.memory_space<hbm>> -> memref<2x3328xi32, #tpu.memory_space<hbm>>
      tpu.enqueue_dma source(%arg9 : memref<2x3328xi32, #tpu.memory_space<vmem>>) target(%dma_start3A_62 : memref<2x3328xi32, #tpu.memory_space<hbm>>) target_semaphore(%run_scoped3A : memref<!tpu.dma_semaphore, #tpu.memory_space<semaphore_mem>>)
      %dma_wait3A = arith.constant 0 : i32
      %dma_wait3A_63 = tpu.memref_slice %arg6[%dma_wait3A, %add3A_20] : memref<2x330000xi32, #tpu.memory_space<hbm>> -> memref<2x3328xi32, #tpu.memory_space<hbm>>
      %dma_wait3A_64 = arith.constant 0 : i32
      %dma_wait3A_65 = tpu.memref_slice %arg6[%dma_wait3A_64, %add3A_20] : memref<2x330000xi32, #tpu.memory_space<hbm>> -> memref<2x3328xi32, #tpu.memory_space<hbm>>
      tpu.wait_dma2 semaphore(%run_scoped3A : memref<!tpu.dma_semaphore, #tpu.memory_space<semaphore_mem>>) src(%arg9 : memref<2x3328xi32, #tpu.memory_space<vmem>>) dst(%dma_wait3A_65 : memref<2x3328xi32, #tpu.memory_space<hbm>>)
      tpu.yield
    }) : () -> ()
    %mul3A_21 = arith.constant 9984 : i32
    %mul3A_22 = arith.muli %add3A, %mul3A_21 : i32
    %add3A_23 = arith.constant 6656 : i32
    %add3A_24 = arith.addi %mul3A_22, %add3A_23 : i32
    "tpu.region"() ({
      %run_scoped3A = tpu.sem_alloc : memref<!tpu.dma_semaphore, #tpu.memory_space<semaphore_mem>>
      %dma_start3A = arith.constant 0 : i32
      %dma_start3A_60 = tpu.memref_slice %arg3[%dma_start3A, %add3A_24] : memref<2x320000xi32, #tpu.memory_space<hbm>> -> memref<2x3328xi32, #tpu.memory_space<hbm>>
      %dma_start3A_61 = arith.constant 0 : i32
      %dma_start3A_62 = tpu.memref_slice %arg3[%dma_start3A_61, %add3A_24] : memref<2x320000xi32, #tpu.memory_space<hbm>> -> memref<2x3328xi32, #tpu.memory_space<hbm>>
      tpu.enqueue_dma source(%dma_start3A_62 : memref<2x3328xi32, #tpu.memory_space<hbm>>) target(%arg9 : memref<2x3328xi32, #tpu.memory_space<vmem>>) target_semaphore(%run_scoped3A : memref<!tpu.dma_semaphore, #tpu.memory_space<semaphore_mem>>)
      %dma_wait3A = arith.constant 0 : i32
      %dma_wait3A_63 = tpu.memref_slice %arg3[%dma_wait3A, %add3A_24] : memref<2x320000xi32, #tpu.memory_space<hbm>> -> memref<2x3328xi32, #tpu.memory_space<hbm>>
      %dma_wait3A_64 = arith.constant 0 : i32
      %dma_wait3A_65 = tpu.memref_slice %arg3[%dma_wait3A_64, %add3A_24] : memref<2x320000xi32, #tpu.memory_space<hbm>> -> memref<2x3328xi32, #tpu.memory_space<hbm>>
      tpu.wait_dma2 semaphore(%run_scoped3A : memref<!tpu.dma_semaphore, #tpu.memory_space<semaphore_mem>>) src(%dma_wait3A_65 : memref<2x3328xi32, #tpu.memory_space<hbm>>) dst(%arg9 : memref<2x3328xi32, #tpu.memory_space<vmem>>)
      tpu.yield
    }) : () -> ()
    "tpu.region"() ({
      %run_scoped3A = tpu.sem_alloc : memref<!tpu.dma_semaphore, #tpu.memory_space<semaphore_mem>>
      %dma_start3A = arith.constant 0 : i32
      %dma_start3A_60 = tpu.memref_slice %arg6[%dma_start3A, %add3A_24] : memref<2x330000xi32, #tpu.memory_space<hbm>> -> memref<2x3328xi32, #tpu.memory_space<hbm>>
      %dma_start3A_61 = arith.constant 0 : i32
      %dma_start3A_62 = tpu.memref_slice %arg6[%dma_start3A_61, %add3A_24] : memref<2x330000xi32, #tpu.memory_space<hbm>> -> memref<2x3328xi32, #tpu.memory_space<hbm>>
      tpu.enqueue_dma source(%arg9 : memref<2x3328xi32, #tpu.memory_space<vmem>>) target(%dma_start3A_62 : memref<2x3328xi32, #tpu.memory_space<hbm>>) target_semaphore(%run_scoped3A : memref<!tpu.dma_semaphore, #tpu.memory_space<semaphore_mem>>)
      %dma_wait3A = arith.constant 0 : i32
      %dma_wait3A_63 = tpu.memref_slice %arg6[%dma_wait3A, %add3A_24] : memref<2x330000xi32, #tpu.memory_space<hbm>> -> memref<2x3328xi32, #tpu.memory_space<hbm>>
      %dma_wait3A_64 = arith.constant 0 : i32
      %dma_wait3A_65 = tpu.memref_slice %arg6[%dma_wait3A_64, %add3A_24] : memref<2x330000xi32, #tpu.memory_space<hbm>> -> memref<2x3328xi32, #tpu.memory_space<hbm>>
      tpu.wait_dma2 semaphore(%run_scoped3A : memref<!tpu.dma_semaphore, #tpu.memory_space<semaphore_mem>>) src(%arg9 : memref<2x3328xi32, #tpu.memory_space<vmem>>) dst(%dma_wait3A_65 : memref<2x3328xi32, #tpu.memory_space<hbm>>)
      tpu.yield
    }) : () -> ()
    %lt3A = arith.constant 26 : i32
    %lt3A_25 = arith.cmpi slt, %add3A, %lt3A : i32
    %convert_element_type3A = arith.extui %lt3A_25 : i1 to i32
    %cond3A = arith.constant 0 : i32
    %cond3A_26 = arith.cmpi ne, %convert_element_type3A, %cond3A : i32
    scf.if %cond3A_26 {
      %mul3A_60 = arith.constant 384 : i32
      %mul3A_61 = arith.muli %add3A, %mul3A_60 : i32
      "tpu.region"() ({
        %run_scoped3A = tpu.sem_alloc : memref<!tpu.dma_semaphore, #tpu.memory_space<semaphore_mem>>
        %dma_start3A = arith.constant 0 : i32
        %dma_start3A_62 = tpu.memref_slice %arg13[%dma_start3A] : memref<400xi32, #tpu.memory_space<vmem>> -> memref<384xi32, #tpu.memory_space<vmem>>
        %dma_start3A_63 = tpu.memref_slice %arg4[%mul3A_61] : memref<10000xi32, #tpu.memory_space<hbm>> -> memref<384xi32, #tpu.memory_space<hbm>>
        %dma_start3A_64 = arith.constant 0 : i32
        %dma_start3A_65 = tpu.memref_slice %arg13[%dma_start3A_64] : memref<400xi32, #tpu.memory_space<vmem>> -> memref<384xi32, #tpu.memory_space<vmem>>
        %dma_start3A_66 = tpu.memref_slice %arg4[%mul3A_61] : memref<10000xi32, #tpu.memory_space<hbm>> -> memref<384xi32, #tpu.memory_space<hbm>>
        tpu.enqueue_dma source(%dma_start3A_66 : memref<384xi32, #tpu.memory_space<hbm>>) target(%dma_start3A_65 : memref<384xi32, #tpu.memory_space<vmem>>) target_semaphore(%run_scoped3A : memref<!tpu.dma_semaphore, #tpu.memory_space<semaphore_mem>>)
        %dma_wait3A = arith.constant 0 : i32
        %dma_wait3A_67 = tpu.memref_slice %arg13[%dma_wait3A] : memref<400xi32, #tpu.memory_space<vmem>> -> memref<384xi32, #tpu.memory_space<vmem>>
        %dma_wait3A_68 = tpu.memref_slice %arg4[%mul3A_61] : memref<10000xi32, #tpu.memory_space<hbm>> -> memref<384xi32, #tpu.memory_space<hbm>>
        %dma_wait3A_69 = arith.constant 0 : i32
        %dma_wait3A_70 = tpu.memref_slice %arg13[%dma_wait3A_69] : memref<400xi32, #tpu.memory_space<vmem>> -> memref<384xi32, #tpu.memory_space<vmem>>
        %dma_wait3A_71 = tpu.memref_slice %arg4[%mul3A_61] : memref<10000xi32, #tpu.memory_space<hbm>> -> memref<384xi32, #tpu.memory_space<hbm>>
        tpu.wait_dma2 semaphore(%run_scoped3A : memref<!tpu.dma_semaphore, #tpu.memory_space<semaphore_mem>>) src(%dma_wait3A_71 : memref<384xi32, #tpu.memory_space<hbm>>) dst(%dma_wait3A_70 : memref<384xi32, #tpu.memory_space<vmem>>)
        tpu.yield
      }) : () -> ()
      "tpu.region"() ({
        %run_scoped3A = tpu.sem_alloc : memref<!tpu.dma_semaphore, #tpu.memory_space<semaphore_mem>>
        %dma_start3A = arith.constant 0 : i32
        %dma_start3A_62 = tpu.memref_slice %arg13[%dma_start3A] : memref<400xi32, #tpu.memory_space<vmem>> -> memref<384xi32, #tpu.memory_space<vmem>>
        %dma_start3A_63 = tpu.memref_slice %arg7[%mul3A_61] : memref<10016xi32, #tpu.memory_space<hbm>> -> memref<384xi32, #tpu.memory_space<hbm>>
        %dma_start3A_64 = tpu.memref_slice %arg7[%mul3A_61] : memref<10016xi32, #tpu.memory_space<hbm>> -> memref<384xi32, #tpu.memory_space<hbm>>
        %dma_start3A_65 = arith.constant 0 : i32
        %dma_start3A_66 = tpu.memref_slice %arg13[%dma_start3A_65] : memref<400xi32, #tpu.memory_space<vmem>> -> memref<384xi32, #tpu.memory_space<vmem>>
        tpu.enqueue_dma source(%dma_start3A_66 : memref<384xi32, #tpu.memory_space<vmem>>) target(%dma_start3A_64 : memref<384xi32, #tpu.memory_space<hbm>>) target_semaphore(%run_scoped3A : memref<!tpu.dma_semaphore, #tpu.memory_space<semaphore_mem>>)
        %dma_wait3A = arith.constant 0 : i32
        %dma_wait3A_67 = tpu.memref_slice %arg13[%dma_wait3A] : memref<400xi32, #tpu.memory_space<vmem>> -> memref<384xi32, #tpu.memory_space<vmem>>
        %dma_wait3A_68 = tpu.memref_slice %arg7[%mul3A_61] : memref<10016xi32, #tpu.memory_space<hbm>> -> memref<384xi32, #tpu.memory_space<hbm>>
        %dma_wait3A_69 = tpu.memref_slice %arg7[%mul3A_61] : memref<10016xi32, #tpu.memory_space<hbm>> -> memref<384xi32, #tpu.memory_space<hbm>>
        %dma_wait3A_70 = arith.constant 0 : i32
        %dma_wait3A_71 = tpu.memref_slice %arg13[%dma_wait3A_70] : memref<400xi32, #tpu.memory_space<vmem>> -> memref<384xi32, #tpu.memory_space<vmem>>
        tpu.wait_dma2 semaphore(%run_scoped3A : memref<!tpu.dma_semaphore, #tpu.memory_space<semaphore_mem>>) src(%dma_wait3A_71 : memref<384xi32, #tpu.memory_space<vmem>>) dst(%dma_wait3A_69 : memref<384xi32, #tpu.memory_space<hbm>>)
        tpu.yield
      }) : () -> ()
    } else {
    }
    %mul3A_27 = arith.constant 256 : i32
    %mul3A_28 = arith.muli %add3A, %mul3A_27 : i32
    "tpu.region"() ({
      %run_scoped3A = tpu.sem_alloc : memref<!tpu.dma_semaphore, #tpu.memory_space<semaphore_mem>>
      %dma_start3A = arith.constant 0 : i32
      %dma_start3A_60 = tpu.memref_slice %arg12[%dma_start3A] : memref<256xi32, #tpu.memory_space<vmem>> -> memref<256xi32, #tpu.memory_space<vmem>>
      %dma_start3A_61 = tpu.memref_slice %arg4[%mul3A_28] : memref<10000xi32, #tpu.memory_space<hbm>> -> memref<256xi32, #tpu.memory_space<hbm>>
      %dma_start3A_62 = arith.constant 0 : i32
      %dma_start3A_63 = tpu.memref_slice %arg12[%dma_start3A_62] : memref<256xi32, #tpu.memory_space<vmem>> -> memref<256xi32, #tpu.memory_space<vmem>>
      %dma_start3A_64 = tpu.memref_slice %arg4[%mul3A_28] : memref<10000xi32, #tpu.memory_space<hbm>> -> memref<256xi32, #tpu.memory_space<hbm>>
      tpu.enqueue_dma source(%dma_start3A_64 : memref<256xi32, #tpu.memory_space<hbm>>) target(%dma_start3A_63 : memref<256xi32, #tpu.memory_space<vmem>>) target_semaphore(%run_scoped3A : memref<!tpu.dma_semaphore, #tpu.memory_space<semaphore_mem>>)
      %dma_wait3A = arith.constant 0 : i32
      %dma_wait3A_65 = tpu.memref_slice %arg12[%dma_wait3A] : memref<256xi32, #tpu.memory_space<vmem>> -> memref<256xi32, #tpu.memory_space<vmem>>
      %dma_wait3A_66 = tpu.memref_slice %arg4[%mul3A_28] : memref<10000xi32, #tpu.memory_space<hbm>> -> memref<256xi32, #tpu.memory_space<hbm>>
      %dma_wait3A_67 = arith.constant 0 : i32
      %dma_wait3A_68 = tpu.memref_slice %arg12[%dma_wait3A_67] : memref<256xi32, #tpu.memory_space<vmem>> -> memref<256xi32, #tpu.memory_space<vmem>>
      %dma_wait3A_69 = tpu.memref_slice %arg4[%mul3A_28] : memref<10000xi32, #tpu.memory_space<hbm>> -> memref<256xi32, #tpu.memory_space<hbm>>
      tpu.wait_dma2 semaphore(%run_scoped3A : memref<!tpu.dma_semaphore, #tpu.memory_space<semaphore_mem>>) src(%dma_wait3A_69 : memref<256xi32, #tpu.memory_space<hbm>>) dst(%dma_wait3A_68 : memref<256xi32, #tpu.memory_space<vmem>>)
      tpu.yield
    }) : () -> ()
    %scan3A = arith.constant 0 : i32
    %scan3A_29 = arith.constant 0 : i32
    %scan3A_30 = arith.constant 16 : i32
    %scan3A_31 = arith.addi %scan3A_29, %scan3A_30 : i32
    %scan3A_32 = arith.constant 1 : i32
    scf.for %scan3A_60 = %scan3A_29 to %scan3A_31 step %scan3A_32  : i32 {
      %iota3A = tpu.iota {dimensions = array<i32: 0>} : vector<16xi32>
      %mul3A_61 = arith.constant 16 : i32
      %mul3A_62 = arith.muli %scan3A_60, %mul3A_61 : i32
      %add3A_63 = arith.addi %mul3A_28, %mul3A_62 : i32
      %add3A_64 = vector.broadcast %add3A_63 : i32 to vector<16xi32>
      %add3A_65 = arith.addi %iota3A, %add3A_64 : vector<16xi32>
      %mul3A_66 = arith.constant 16 : i32
      %mul3A_67 = arith.muli %scan3A_60, %mul3A_66 : i32
      %swap3A = arith.constant 0 : i32
      %swap3A_68 = arith.index_cast %swap3A : i32 to index
      %swap3A_69 = arith.index_cast %mul3A_67 : i32 to index
      %swap3A_70 = tpu.vector_load %arg11[%swap3A_68, %swap3A_69] {strides = array<i32>} : memref<2x256xi32, #tpu.memory_space<vmem>>, vector<1x16xi32>,
      %swap3A_71 = vector.shape_cast %swap3A_70 : vector<1x16xi32> to vector<16xi32>
      %swap3A_72 = vector.shape_cast %add3A_65 : vector<16xi32> to vector<1x16xi32>
      tpu.vector_store %arg11[%swap3A_68, %swap3A_69], %swap3A_72 {strides = array<i32>} : memref<2x256xi32, #tpu.memory_space<vmem>>, vector<1x16xi32>,
      %mul3A_73 = arith.constant 16 : i32
      %mul3A_74 = arith.muli %scan3A_60, %mul3A_73 : i32
      %get3A = arith.index_cast %mul3A_74 : i32 to index
      %get3A_75 = tpu.vector_load %arg12[%get3A] {strides = array<i32>} : memref<256xi32, #tpu.memory_space<vmem>>, vector<16xi32>,
      %get3A_76 = vector.shape_cast %get3A_75 : vector<16xi32> to vector<16xi32>
      %add3A_77 = arith.constant 10000 : i32
      %add3A_78 = vector.broadcast %add3A_77 : i32 to vector<16xi32>
      %add3A_79 = arith.addi %get3A_76, %add3A_78 : vector<16xi32>
      %mul3A_80 = arith.constant 16 : i32
      %mul3A_81 = arith.muli %scan3A_60, %mul3A_80 : i32
      %swap3A_82 = arith.constant 1 : i32
      %swap3A_83 = arith.index_cast %swap3A_82 : i32 to index
      %swap3A_84 = arith.index_cast %mul3A_81 : i32 to index
      %swap3A_85 = tpu.vector_load %arg11[%swap3A_83, %swap3A_84] {strides = array<i32>} : memref<2x256xi32, #tpu.memory_space<vmem>>, vector<1x16xi32>,
      %swap3A_86 = vector.shape_cast %swap3A_85 : vector<1x16xi32> to vector<16xi32>
      %swap3A_87 = vector.shape_cast %add3A_79 : vector<16xi32> to vector<1x16xi32>
      tpu.vector_store %arg11[%swap3A_83, %swap3A_84], %swap3A_87 {strides = array<i32>} : memref<2x256xi32, #tpu.memory_space<vmem>>, vector<1x16xi32>,
    }
    %scan3A_33 = arith.constant 16 : i32
    %add3A_34 = arith.constant 320000 : i32
    %add3A_35 = arith.addi %add3A_34, %mul3A_28 : i32
    "tpu.region"() ({
      %run_scoped3A = tpu.sem_alloc : memref<!tpu.dma_semaphore, #tpu.memory_space<semaphore_mem>>
      %dma_start3A = arith.constant 0 : i32
      %dma_start3A_60 = arith.constant 0 : i32
      %dma_start3A_61 = tpu.memref_slice %arg11[%dma_start3A, %dma_start3A_60] : memref<2x256xi32, #tpu.memory_space<vmem>> -> memref<2x256xi32, #tpu.memory_space<vmem>>
      %dma_start3A_62 = arith.constant 0 : i32
      %dma_start3A_63 = tpu.memref_slice %arg6[%dma_start3A_62, %add3A_35] : memref<2x330000xi32, #tpu.memory_space<hbm>> -> memref<2x256xi32, #tpu.memory_space<hbm>>
      %dma_start3A_64 = arith.constant 0 : i32
      %dma_start3A_65 = tpu.memref_slice %arg6[%dma_start3A_64, %add3A_35] : memref<2x330000xi32, #tpu.memory_space<hbm>> -> memref<2x256xi32, #tpu.memory_space<hbm>>
      %dma_start3A_66 = arith.constant 0 : i32
      %dma_start3A_67 = arith.constant 0 : i32
      %dma_start3A_68 = tpu.memref_slice %arg11[%dma_start3A_66, %dma_start3A_67] : memref<2x256xi32, #tpu.memory_space<vmem>> -> memref<2x256xi32, #tpu.memory_space<vmem>>
      tpu.enqueue_dma source(%dma_start3A_68 : memref<2x256xi32, #tpu.memory_space<vmem>>) target(%dma_start3A_65 : memref<2x256xi32, #tpu.memory_space<hbm>>) target_semaphore(%run_scoped3A : memref<!tpu.dma_semaphore, #tpu.memory_space<semaphore_mem>>)
      %dma_wait3A = arith.constant 0 : i32
      %dma_wait3A_69 = arith.constant 0 : i32
      %dma_wait3A_70 = tpu.memref_slice %arg11[%dma_wait3A, %dma_wait3A_69] : memref<2x256xi32, #tpu.memory_space<vmem>> -> memref<2x256xi32, #tpu.memory_space<vmem>>
      %dma_wait3A_71 = arith.constant 0 : i32
      %dma_wait3A_72 = tpu.memref_slice %arg6[%dma_wait3A_71, %add3A_35] : memref<2x330000xi32, #tpu.memory_space<hbm>> -> memref<2x256xi32, #tpu.memory_space<hbm>>
      %dma_wait3A_73 = arith.constant 0 : i32
      %dma_wait3A_74 = tpu.memref_slice %arg6[%dma_wait3A_73, %add3A_35] : memref<2x330000xi32, #tpu.memory_space<hbm>> -> memref<2x256xi32, #tpu.memory_space<hbm>>
      %dma_wait3A_75 = arith.constant 0 : i32
      %dma_wait3A_76 = arith.constant 0 : i32
      %dma_wait3A_77 = tpu.memref_slice %arg11[%dma_wait3A_75, %dma_wait3A_76] : memref<2x256xi32, #tpu.memory_space<vmem>> -> memref<2x256xi32, #tpu.memory_space<vmem>>
      tpu.wait_dma2 semaphore(%run_scoped3A : memref<!tpu.dma_semaphore, #tpu.memory_space<semaphore_mem>>) src(%dma_wait3A_77 : memref<2x256xi32, #tpu.memory_space<vmem>>) dst(%dma_wait3A_74 : memref<2x256xi32, #tpu.memory_space<hbm>>)
      tpu.yield
    }) : () -> ()
    %lt3A_36 = arith.constant 14 : i32
    %lt3A_37 = arith.cmpi slt, %add3A, %lt3A_36 : i32
    %convert_element_type3A_38 = arith.extui %lt3A_37 : i1 to i32
    %cond3A_39 = arith.constant 0 : i32
    %cond3A_40 = arith.cmpi ne, %convert_element_type3A_38, %cond3A_39 : i32
    scf.if %cond3A_40 {
      %mul3A_60 = arith.constant 128 : i32
      %mul3A_61 = arith.muli %add3A, %mul3A_60 : i32
      %add3A_62 = arith.constant 8192 : i32
      %add3A_63 = arith.addi %add3A_62, %mul3A_61 : i32
      "tpu.region"() ({
        %run_scoped3A = tpu.sem_alloc : memref<!tpu.dma_semaphore, #tpu.memory_space<semaphore_mem>>
        %dma_start3A = arith.constant 0 : i32
        %dma_start3A_72 = tpu.memref_slice %arg12[%dma_start3A] : memref<256xi32, #tpu.memory_space<vmem>> -> memref<128xi32, #tpu.memory_space<vmem>>
        %dma_start3A_73 = tpu.memref_slice %arg4[%add3A_63] : memref<10000xi32, #tpu.memory_space<hbm>> -> memref<128xi32, #tpu.memory_space<hbm>>
        %dma_start3A_74 = arith.constant 0 : i32
        %dma_start3A_75 = tpu.memref_slice %arg12[%dma_start3A_74] : memref<256xi32, #tpu.memory_space<vmem>> -> memref<128xi32, #tpu.memory_space<vmem>>
        %dma_start3A_76 = tpu.memref_slice %arg4[%add3A_63] : memref<10000xi32, #tpu.memory_space<hbm>> -> memref<128xi32, #tpu.memory_space<hbm>>
        tpu.enqueue_dma source(%dma_start3A_76 : memref<128xi32, #tpu.memory_space<hbm>>) target(%dma_start3A_75 : memref<128xi32, #tpu.memory_space<vmem>>) target_semaphore(%run_scoped3A : memref<!tpu.dma_semaphore, #tpu.memory_space<semaphore_mem>>)
        %dma_wait3A = arith.constant 0 : i32
        %dma_wait3A_77 = tpu.memref_slice %arg12[%dma_wait3A] : memref<256xi32, #tpu.memory_space<vmem>> -> memref<128xi32, #tpu.memory_space<vmem>>
        %dma_wait3A_78 = tpu.memref_slice %arg4[%add3A_63] : memref<10000xi32, #tpu.memory_space<hbm>> -> memref<128xi32, #tpu.memory_space<hbm>>
        %dma_wait3A_79 = arith.constant 0 : i32
        %dma_wait3A_80 = tpu.memref_slice %arg12[%dma_wait3A_79] : memref<256xi32, #tpu.memory_space<vmem>> -> memref<128xi32, #tpu.memory_space<vmem>>
        %dma_wait3A_81 = tpu.memref_slice %arg4[%add3A_63] : memref<10000xi32, #tpu.memory_space<hbm>> -> memref<128xi32, #tpu.memory_space<hbm>>
        tpu.wait_dma2 semaphore(%run_scoped3A : memref<!tpu.dma_semaphore, #tpu.memory_space<semaphore_mem>>) src(%dma_wait3A_81 : memref<128xi32, #tpu.memory_space<hbm>>) dst(%dma_wait3A_80 : memref<128xi32, #tpu.memory_space<vmem>>)
        tpu.yield
      }) : () -> ()
      %scan3A_64 = arith.constant 0 : i32
      %scan3A_65 = arith.constant 0 : i32
      %scan3A_66 = arith.constant 8 : i32
      %scan3A_67 = arith.addi %scan3A_65, %scan3A_66 : i32
      %scan3A_68 = arith.constant 1 : i32
      scf.for %scan3A_72 = %scan3A_65 to %scan3A_67 step %scan3A_68  : i32 {
        %iota3A = tpu.iota {dimensions = array<i32: 0>} : vector<16xi32>
        %mul3A_73 = arith.constant 16 : i32
        %mul3A_74 = arith.muli %scan3A_72, %mul3A_73 : i32
        %add3A_75 = arith.addi %add3A_63, %mul3A_74 : i32
        %add3A_76 = vector.broadcast %add3A_75 : i32 to vector<16xi32>
        %add3A_77 = arith.addi %iota3A, %add3A_76 : vector<16xi32>
        %mul3A_78 = arith.constant 16 : i32
        %mul3A_79 = arith.muli %scan3A_72, %mul3A_78 : i32
        %swap3A = arith.constant 0 : i32
        %swap3A_80 = arith.index_cast %swap3A : i32 to index
        %swap3A_81 = arith.index_cast %mul3A_79 : i32 to index
        %swap3A_82 = tpu.vector_load %arg11[%swap3A_80, %swap3A_81] {strides = array<i32>} : memref<2x256xi32, #tpu.memory_space<vmem>>, vector<1x16xi32>,
        %swap3A_83 = vector.shape_cast %swap3A_82 : vector<1x16xi32> to vector<16xi32>
        %swap3A_84 = vector.shape_cast %add3A_77 : vector<16xi32> to vector<1x16xi32>
        tpu.vector_store %arg11[%swap3A_80, %swap3A_81], %swap3A_84 {strides = array<i32>} : memref<2x256xi32, #tpu.memory_space<vmem>>, vector<1x16xi32>,
        %mul3A_85 = arith.constant 16 : i32
        %mul3A_86 = arith.muli %scan3A_72, %mul3A_85 : i32
        %get3A = arith.index_cast %mul3A_86 : i32 to index
        %get3A_87 = tpu.vector_load %arg12[%get3A] {strides = array<i32>} : memref<256xi32, #tpu.memory_space<vmem>>, vector<16xi32>,
        %get3A_88 = vector.shape_cast %get3A_87 : vector<16xi32> to vector<16xi32>
        %add3A_89 = arith.constant 10000 : i32
        %add3A_90 = vector.broadcast %add3A_89 : i32 to vector<16xi32>
        %add3A_91 = arith.addi %get3A_88, %add3A_90 : vector<16xi32>
        %mul3A_92 = arith.constant 16 : i32
        %mul3A_93 = arith.muli %scan3A_72, %mul3A_92 : i32
        %swap3A_94 = arith.constant 1 : i32
        %swap3A_95 = arith.index_cast %swap3A_94 : i32 to index
        %swap3A_96 = arith.index_cast %mul3A_93 : i32 to index
        %swap3A_97 = tpu.vector_load %arg11[%swap3A_95, %swap3A_96] {strides = array<i32>} : memref<2x256xi32, #tpu.memory_space<vmem>>, vector<1x16xi32>,
        %swap3A_98 = vector.shape_cast %swap3A_97 : vector<1x16xi32> to vector<16xi32>
        %swap3A_99 = vector.shape_cast %add3A_91 : vector<16xi32> to vector<1x16xi32>
        tpu.vector_store %arg11[%swap3A_95, %swap3A_96], %swap3A_99 {strides = array<i32>} : memref<2x256xi32, #tpu.memory_space<vmem>>, vector<1x16xi32>,
      }
      %scan3A_69 = arith.constant 8 : i32
      %add3A_70 = arith.constant 320000 : i32
      %add3A_71 = arith.addi %add3A_70, %add3A_63 : i32
      "tpu.region"() ({
        %run_scoped3A = tpu.sem_alloc : memref<!tpu.dma_semaphore, #tpu.memory_space<semaphore_mem>>
        %dma_start3A = arith.constant 0 : i32
        %dma_start3A_72 = arith.constant 0 : i32
        %dma_start3A_73 = tpu.memref_slice %arg11[%dma_start3A, %dma_start3A_72] : memref<2x256xi32, #tpu.memory_space<vmem>> -> memref<2x128xi32, #tpu.memory_space<vmem>>
        %dma_start3A_74 = arith.constant 0 : i32
        %dma_start3A_75 = tpu.memref_slice %arg6[%dma_start3A_74, %add3A_71] : memref<2x330000xi32, #tpu.memory_space<hbm>> -> memref<2x128xi32, #tpu.memory_space<hbm>>
        %dma_start3A_76 = arith.constant 0 : i32
        %dma_start3A_77 = tpu.memref_slice %arg6[%dma_start3A_76, %add3A_71] : memref<2x330000xi32, #tpu.memory_space<hbm>> -> memref<2x128xi32, #tpu.memory_space<hbm>>
        %dma_start3A_78 = arith.constant 0 : i32
        %dma_start3A_79 = arith.constant 0 : i32
        %dma_start3A_80 = tpu.memref_slice %arg11[%dma_start3A_78, %dma_start3A_79] : memref<2x256xi32, #tpu.memory_space<vmem>> -> memref<2x128xi32, #tpu.memory_space<vmem>>
        tpu.enqueue_dma source(%dma_start3A_80 : memref<2x128xi32, #tpu.memory_space<vmem>>) target(%dma_start3A_77 : memref<2x128xi32, #tpu.memory_space<hbm>>) target_semaphore(%run_scoped3A : memref<!tpu.dma_semaphore, #tpu.memory_space<semaphore_mem>>)
        %dma_wait3A = arith.constant 0 : i32
        %dma_wait3A_81 = arith.constant 0 : i32
        %dma_wait3A_82 = tpu.memref_slice %arg11[%dma_wait3A, %dma_wait3A_81] : memref<2x256xi32, #tpu.memory_space<vmem>> -> memref<2x128xi32, #tpu.memory_space<vmem>>
        %dma_wait3A_83 = arith.constant 0 : i32
        %dma_wait3A_84 = tpu.memref_slice %arg6[%dma_wait3A_83, %add3A_71] : memref<2x330000xi32, #tpu.memory_space<hbm>> -> memref<2x128xi32, #tpu.memory_space<hbm>>
        %dma_wait3A_85 = arith.constant 0 : i32
        %dma_wait3A_86 = tpu.memref_slice %arg6[%dma_wait3A_85, %add3A_71] : memref<2x330000xi32, #tpu.memory_space<hbm>> -> memref<2x128xi32, #tpu.memory_space<hbm>>
        %dma_wait3A_87 = arith.constant 0 : i32
        %dma_wait3A_88 = arith.constant 0 : i32
        %dma_wait3A_89 = tpu.memref_slice %arg11[%dma_wait3A_87, %dma_wait3A_88] : memref<2x256xi32, #tpu.memory_space<vmem>> -> memref<2x128xi32, #tpu.memory_space<vmem>>
        tpu.wait_dma2 semaphore(%run_scoped3A : memref<!tpu.dma_semaphore, #tpu.memory_space<semaphore_mem>>) src(%dma_wait3A_89 : memref<2x128xi32, #tpu.memory_space<vmem>>) dst(%dma_wait3A_86 : memref<2x128xi32, #tpu.memory_space<hbm>>)
        tpu.yield
      }) : () -> ()
    } else {
    }
    %eq3A = arith.constant 21 : i32
    %eq3A_41 = arith.cmpi eq, %add3A, %eq3A : i32
    %convert_element_type3A_42 = arith.extui %eq3A_41 : i1 to i32
    %cond3A_43 = arith.constant 0 : i32
    %cond3A_44 = arith.cmpi ne, %convert_element_type3A_42, %cond3A_43 : i32
    scf.if %cond3A_44 {
      "tpu.region"() ({
        %run_scoped3A = tpu.sem_alloc : memref<!tpu.dma_semaphore, #tpu.memory_space<semaphore_mem>>
        %dma_start3A = arith.constant 0 : i32
        %dma_start3A_60 = arith.constant 0 : i32
        %dma_start3A_61 = tpu.memref_slice %arg9[%dma_start3A, %dma_start3A_60] : memref<2x3328xi32, #tpu.memory_space<vmem>> -> memref<2x512xi32, #tpu.memory_space<vmem>>
        %dma_start3A_62 = arith.constant 0 : i32
        %dma_start3A_63 = arith.constant 319488 : i32
        %dma_start3A_64 = tpu.memref_slice %arg3[%dma_start3A_62, %dma_start3A_63] : memref<2x320000xi32, #tpu.memory_space<hbm>> -> memref<2x512xi32, #tpu.memory_space<hbm>>
        %dma_start3A_65 = arith.constant 0 : i32
        %dma_start3A_66 = arith.constant 0 : i32
        %dma_start3A_67 = tpu.memref_slice %arg9[%dma_start3A_65, %dma_start3A_66] : memref<2x3328xi32, #tpu.memory_space<vmem>> -> memref<2x512xi32, #tpu.memory_space<vmem>>
        %dma_start3A_68 = arith.constant 0 : i32
        %dma_start3A_69 = arith.constant 319488 : i32
        %dma_start3A_70 = tpu.memref_slice %arg3[%dma_start3A_68, %dma_start3A_69] : memref<2x320000xi32, #tpu.memory_space<hbm>> -> memref<2x512xi32, #tpu.memory_space<hbm>>
        tpu.enqueue_dma source(%dma_start3A_70 : memref<2x512xi32, #tpu.memory_space<hbm>>) target(%dma_start3A_67 : memref<2x512xi32, #tpu.memory_space<vmem>>) target_semaphore(%run_scoped3A : memref<!tpu.dma_semaphore, #tpu.memory_space<semaphore_mem>>)
        %dma_wait3A = arith.constant 0 : i32
        %dma_wait3A_71 = arith.constant 0 : i32
        %dma_wait3A_72 = tpu.memref_slice %arg9[%dma_wait3A, %dma_wait3A_71] : memref<2x3328xi32, #tpu.memory_space<vmem>> -> memref<2x512xi32, #tpu.memory_space<vmem>>
        %dma_wait3A_73 = arith.constant 0 : i32
        %dma_wait3A_74 = arith.constant 319488 : i32
        %dma_wait3A_75 = tpu.memref_slice %arg3[%dma_wait3A_73, %dma_wait3A_74] : memref<2x320000xi32, #tpu.memory_space<hbm>> -> memref<2x512xi32, #tpu.memory_space<hbm>>
        %dma_wait3A_76 = arith.constant 0 : i32
        %dma_wait3A_77 = arith.constant 0 : i32
        %dma_wait3A_78 = tpu.memref_slice %arg9[%dma_wait3A_76, %dma_wait3A_77] : memref<2x3328xi32, #tpu.memory_space<vmem>> -> memref<2x512xi32, #tpu.memory_space<vmem>>
        %dma_wait3A_79 = arith.constant 0 : i32
        %dma_wait3A_80 = arith.constant 319488 : i32
        %dma_wait3A_81 = tpu.memref_slice %arg3[%dma_wait3A_79, %dma_wait3A_80] : memref<2x320000xi32, #tpu.memory_space<hbm>> -> memref<2x512xi32, #tpu.memory_space<hbm>>
        tpu.wait_dma2 semaphore(%run_scoped3A : memref<!tpu.dma_semaphore, #tpu.memory_space<semaphore_mem>>) src(%dma_wait3A_81 : memref<2x512xi32, #tpu.memory_space<hbm>>) dst(%dma_wait3A_78 : memref<2x512xi32, #tpu.memory_space<vmem>>)
        tpu.yield
      }) : () -> ()
      "tpu.region"() ({
        %run_scoped3A = tpu.sem_alloc : memref<!tpu.dma_semaphore, #tpu.memory_space<semaphore_mem>>
        %dma_start3A = arith.constant 0 : i32
        %dma_start3A_60 = arith.constant 0 : i32
        %dma_start3A_61 = tpu.memref_slice %arg9[%dma_start3A, %dma_start3A_60] : memref<2x3328xi32, #tpu.memory_space<vmem>> -> memref<2x512xi32, #tpu.memory_space<vmem>>
        %dma_start3A_62 = arith.constant 0 : i32
        %dma_start3A_63 = arith.constant 319488 : i32
        %dma_start3A_64 = tpu.memref_slice %arg6[%dma_start3A_62, %dma_start3A_63] : memref<2x330000xi32, #tpu.memory_space<hbm>> -> memref<2x512xi32, #tpu.memory_space<hbm>>
        %dma_start3A_65 = arith.constant 0 : i32
        %dma_start3A_66 = arith.constant 319488 : i32
        %dma_start3A_67 = tpu.memref_slice %arg6[%dma_start3A_65, %dma_start3A_66] : memref<2x330000xi32, #tpu.memory_space<hbm>> -> memref<2x512xi32, #tpu.memory_space<hbm>>
        %dma_start3A_68 = arith.constant 0 : i32
        %dma_start3A_69 = arith.constant 0 : i32
        %dma_start3A_70 = tpu.memref_slice %arg9[%dma_start3A_68, %dma_start3A_69] : memref<2x3328xi32, #tpu.memory_space<vmem>> -> memref<2x512xi32, #tpu.memory_space<vmem>>
        tpu.enqueue_dma source(%dma_start3A_70 : memref<2x512xi32, #tpu.memory_space<vmem>>) target(%dma_start3A_67 : memref<2x512xi32, #tpu.memory_space<hbm>>) target_semaphore(%run_scoped3A : memref<!tpu.dma_semaphore, #tpu.memory_space<semaphore_mem>>)
        %dma_wait3A = arith.constant 0 : i32
        %dma_wait3A_71 = arith.constant 0 : i32
        %dma_wait3A_72 = tpu.memref_slice %arg9[%dma_wait3A, %dma_wait3A_71] : memref<2x3328xi32, #tpu.memory_space<vmem>> -> memref<2x512xi32, #tpu.memory_space<vmem>>
        %dma_wait3A_73 = arith.constant 0 : i32
        %dma_wait3A_74 = arith.constant 319488 : i32
        %dma_wait3A_75 = tpu.memref_slice %arg6[%dma_wait3A_73, %dma_wait3A_74] : memref<2x330000xi32, #tpu.memory_space<hbm>> -> memref<2x512xi32, #tpu.memory_space<hbm>>
        %dma_wait3A_76 = arith.constant 0 : i32
        %dma_wait3A_77 = arith.constant 319488 : i32
        %dma_wait3A_78 = tpu.memref_slice %arg6[%dma_wait3A_76, %dma_wait3A_77] : memref<2x330000xi32, #tpu.memory_space<hbm>> -> memref<2x512xi32, #tpu.memory_space<hbm>>
        %dma_wait3A_79 = arith.constant 0 : i32
        %dma_wait3A_80 = arith.constant 0 : i32
        %dma_wait3A_81 = tpu.memref_slice %arg9[%dma_wait3A_79, %dma_wait3A_80] : memref<2x3328xi32, #tpu.memory_space<vmem>> -> memref<2x512xi32, #tpu.memory_space<vmem>>
        tpu.wait_dma2 semaphore(%run_scoped3A : memref<!tpu.dma_semaphore, #tpu.memory_space<semaphore_mem>>) src(%dma_wait3A_81 : memref<2x512xi32, #tpu.memory_space<vmem>>) dst(%dma_wait3A_78 : memref<2x512xi32, #tpu.memory_space<hbm>>)
        tpu.yield
      }) : () -> ()
    } else {
    }
    %eq3A_45 = arith.constant 25 : i32
    %eq3A_46 = arith.cmpi eq, %add3A, %eq3A_45 : i32
    %convert_element_type3A_47 = arith.extui %eq3A_46 : i1 to i32
    %cond3A_48 = arith.constant 0 : i32
    %cond3A_49 = arith.cmpi ne, %convert_element_type3A_47, %cond3A_48 : i32
    scf.if %cond3A_49 {
      "tpu.region"() ({
        %run_scoped3A = tpu.sem_alloc : memref<!tpu.dma_semaphore, #tpu.memory_space<semaphore_mem>>
        %dma_start3A = arith.constant 0 : i32
        %dma_start3A_63 = tpu.memref_slice %arg13[%dma_start3A] : memref<400xi32, #tpu.memory_space<vmem>> -> memref<16xi32, #tpu.memory_space<vmem>>
        %dma_start3A_64 = arith.constant 9984 : i32
        %dma_start3A_65 = tpu.memref_slice %arg4[%dma_start3A_64] : memref<10000xi32, #tpu.memory_space<hbm>> -> memref<16xi32, #tpu.memory_space<hbm>>
        %dma_start3A_66 = arith.constant 0 : i32
        %dma_start3A_67 = tpu.memref_slice %arg13[%dma_start3A_66] : memref<400xi32, #tpu.memory_space<vmem>> -> memref<16xi32, #tpu.memory_space<vmem>>
        %dma_start3A_68 = arith.constant 9984 : i32
        %dma_start3A_69 = tpu.memref_slice %arg4[%dma_start3A_68] : memref<10000xi32, #tpu.memory_space<hbm>> -> memref<16xi32, #tpu.memory_space<hbm>>
        tpu.enqueue_dma source(%dma_start3A_69 : memref<16xi32, #tpu.memory_space<hbm>>) target(%dma_start3A_67 : memref<16xi32, #tpu.memory_space<vmem>>) target_semaphore(%run_scoped3A : memref<!tpu.dma_semaphore, #tpu.memory_space<semaphore_mem>>)
        %dma_wait3A = arith.constant 0 : i32
        %dma_wait3A_70 = tpu.memref_slice %arg13[%dma_wait3A] : memref<400xi32, #tpu.memory_space<vmem>> -> memref<16xi32, #tpu.memory_space<vmem>>
        %dma_wait3A_71 = arith.constant 9984 : i32
        %dma_wait3A_72 = tpu.memref_slice %arg4[%dma_wait3A_71] : memref<10000xi32, #tpu.memory_space<hbm>> -> memref<16xi32, #tpu.memory_space<hbm>>
        %dma_wait3A_73 = arith.constant 0 : i32
        %dma_wait3A_74 = tpu.memref_slice %arg13[%dma_wait3A_73] : memref<400xi32, #tpu.memory_space<vmem>> -> memref<16xi32, #tpu.memory_space<vmem>>
        %dma_wait3A_75 = arith.constant 9984 : i32
        %dma_wait3A_76 = tpu.memref_slice %arg4[%dma_wait3A_75] : memref<10000xi32, #tpu.memory_space<hbm>> -> memref<16xi32, #tpu.memory_space<hbm>>
        tpu.wait_dma2 semaphore(%run_scoped3A : memref<!tpu.dma_semaphore, #tpu.memory_space<semaphore_mem>>) src(%dma_wait3A_76 : memref<16xi32, #tpu.memory_space<hbm>>) dst(%dma_wait3A_74 : memref<16xi32, #tpu.memory_space<vmem>>)
        tpu.yield
      }) : () -> ()
      %iota3A = tpu.iota {dimensions = array<i32: 0>} : vector<16xi32>
      %swap3A = arith.constant 16 : index
      %swap3A_60 = tpu.vector_load %arg13[%swap3A] {strides = array<i32>} : memref<400xi32, #tpu.memory_space<vmem>>, vector<16xi32>,
      %swap3A_61 = vector.shape_cast %swap3A_60 : vector<16xi32> to vector<16xi32>
      %swap3A_62 = vector.shape_cast %iota3A : vector<16xi32> to vector<16xi32>
      tpu.vector_store %arg13[%swap3A], %swap3A_62 {strides = array<i32>} : memref<400xi32, #tpu.memory_space<vmem>>, vector<16xi32>,
      "tpu.region"() ({
        %run_scoped3A = tpu.sem_alloc : memref<!tpu.dma_semaphore, #tpu.memory_space<semaphore_mem>>
        %dma_start3A = arith.constant 0 : i32
        %dma_start3A_63 = tpu.memref_slice %arg13[%dma_start3A] : memref<400xi32, #tpu.memory_space<vmem>> -> memref<32xi32, #tpu.memory_space<vmem>>
        %dma_start3A_64 = arith.constant 9984 : i32
        %dma_start3A_65 = tpu.memref_slice %arg7[%dma_start3A_64] : memref<10016xi32, #tpu.memory_space<hbm>> -> memref<32xi32, #tpu.memory_space<hbm>>
        %dma_start3A_66 = arith.constant 9984 : i32
        %dma_start3A_67 = tpu.memref_slice %arg7[%dma_start3A_66] : memref<10016xi32, #tpu.memory_space<hbm>> -> memref<32xi32, #tpu.memory_space<hbm>>
        %dma_start3A_68 = arith.constant 0 : i32
        %dma_start3A_69 = tpu.memref_slice %arg13[%dma_start3A_68] : memref<400xi32, #tpu.memory_space<vmem>> -> memref<32xi32, #tpu.memory_space<vmem>>
        tpu.enqueue_dma source(%dma_start3A_69 : memref<32xi32, #tpu.memory_space<vmem>>) target(%dma_start3A_67 : memref<32xi32, #tpu.memory_space<hbm>>) target_semaphore(%run_scoped3A : memref<!tpu.dma_semaphore, #tpu.memory_space<semaphore_mem>>)
        %dma_wait3A = arith.constant 0 : i32
        %dma_wait3A_70 = tpu.memref_slice %arg13[%dma_wait3A] : memref<400xi32, #tpu.memory_space<vmem>> -> memref<32xi32, #tpu.memory_space<vmem>>
        %dma_wait3A_71 = arith.constant 9984 : i32
        %dma_wait3A_72 = tpu.memref_slice %arg7[%dma_wait3A_71] : memref<10016xi32, #tpu.memory_space<hbm>> -> memref<32xi32, #tpu.memory_space<hbm>>
        %dma_wait3A_73 = arith.constant 9984 : i32
        %dma_wait3A_74 = tpu.memref_slice %arg7[%dma_wait3A_73] : memref<10016xi32, #tpu.memory_space<hbm>> -> memref<32xi32, #tpu.memory_space<hbm>>
        %dma_wait3A_75 = arith.constant 0 : i32
        %dma_wait3A_76 = tpu.memref_slice %arg13[%dma_wait3A_75] : memref<400xi32, #tpu.memory_space<vmem>> -> memref<32xi32, #tpu.memory_space<vmem>>
        tpu.wait_dma2 semaphore(%run_scoped3A : memref<!tpu.dma_semaphore, #tpu.memory_space<semaphore_mem>>) src(%dma_wait3A_76 : memref<32xi32, #tpu.memory_space<vmem>>) dst(%dma_wait3A_74 : memref<32xi32, #tpu.memory_space<hbm>>)
        tpu.yield
      }) : () -> ()
    } else {
    }
    %eq3A_50 = arith.constant 0 : i32
    %eq3A_51 = arith.cmpi eq, %add3A, %eq3A_50 : i32
    %convert_element_type3A_52 = arith.extui %eq3A_51 : i1 to i32
    %cond3A_53 = arith.constant 0 : i32
    %cond3A_54 = arith.cmpi ne, %convert_element_type3A_52, %cond3A_53 : i32
    scf.if %cond3A_54 {
      "tpu.region"() ({
        %run_scoped3A = tpu.sem_alloc : memref<!tpu.dma_semaphore, #tpu.memory_space<semaphore_mem>>
        %dma_start3A = arith.constant 0 : i32
        %dma_start3A_60 = arith.constant 0 : i32
        %dma_start3A_61 = tpu.memref_slice %arg8[%dma_start3A, %dma_start3A_60] : memref<104x128xf32, #tpu.memory_space<vmem>> -> memref<16x128xf32, #tpu.memory_space<vmem>>
        %dma_start3A_62 = arith.constant 9984 : i32
        %dma_start3A_63 = arith.constant 0 : i32
        %dma_start3A_64 = tpu.memref_slice %arg2[%dma_start3A_62, %dma_start3A_63] : memref<10000x128xf32, #tpu.memory_space<hbm>> -> memref<16x128xf32, #tpu.memory_space<hbm>>
        %dma_start3A_65 = arith.constant 0 : i32
        %dma_start3A_66 = arith.constant 0 : i32
        %dma_start3A_67 = tpu.memref_slice %arg8[%dma_start3A_65, %dma_start3A_66] : memref<104x128xf32, #tpu.memory_space<vmem>> -> memref<16x128xf32, #tpu.memory_space<vmem>>
        %dma_start3A_68 = arith.constant 9984 : i32
        %dma_start3A_69 = arith.constant 0 : i32
        %dma_start3A_70 = tpu.memref_slice %arg2[%dma_start3A_68, %dma_start3A_69] : memref<10000x128xf32, #tpu.memory_space<hbm>> -> memref<16x128xf32, #tpu.memory_space<hbm>>
        tpu.enqueue_dma source(%dma_start3A_70 : memref<16x128xf32, #tpu.memory_space<hbm>>) target(%dma_start3A_67 : memref<16x128xf32, #tpu.memory_space<vmem>>) target_semaphore(%run_scoped3A : memref<!tpu.dma_semaphore, #tpu.memory_space<semaphore_mem>>)
        %dma_wait3A = arith.constant 0 : i32
        %dma_wait3A_71 = arith.constant 0 : i32
        %dma_wait3A_72 = tpu.memref_slice %arg8[%dma_wait3A, %dma_wait3A_71] : memref<104x128xf32, #tpu.memory_space<vmem>> -> memref<16x128xf32, #tpu.memory_space<vmem>>
        %dma_wait3A_73 = arith.constant 9984 : i32
        %dma_wait3A_74 = arith.constant 0 : i32
        %dma_wait3A_75 = tpu.memref_slice %arg2[%dma_wait3A_73, %dma_wait3A_74] : memref<10000x128xf32, #tpu.memory_space<hbm>> -> memref<16x128xf32, #tpu.memory_space<hbm>>
        %dma_wait3A_76 = arith.constant 0 : i32
        %dma_wait3A_77 = arith.constant 0 : i32
        %dma_wait3A_78 = tpu.memref_slice %arg8[%dma_wait3A_76, %dma_wait3A_77] : memref<104x128xf32, #tpu.memory_space<vmem>> -> memref<16x128xf32, #tpu.memory_space<vmem>>
        %dma_wait3A_79 = arith.constant 9984 : i32
        %dma_wait3A_80 = arith.constant 0 : i32
        %dma_wait3A_81 = tpu.memref_slice %arg2[%dma_wait3A_79, %dma_wait3A_80] : memref<10000x128xf32, #tpu.memory_space<hbm>> -> memref<16x128xf32, #tpu.memory_space<hbm>>
        tpu.wait_dma2 semaphore(%run_scoped3A : memref<!tpu.dma_semaphore, #tpu.memory_space<semaphore_mem>>) src(%dma_wait3A_81 : memref<16x128xf32, #tpu.memory_space<hbm>>) dst(%dma_wait3A_78 : memref<16x128xf32, #tpu.memory_space<vmem>>)
        tpu.yield
      }) : () -> ()
      "tpu.region"() ({
        %run_scoped3A = tpu.sem_alloc : memref<!tpu.dma_semaphore, #tpu.memory_space<semaphore_mem>>
        %dma_start3A = arith.constant 0 : i32
        %dma_start3A_60 = arith.constant 0 : i32
        %dma_start3A_61 = tpu.memref_slice %arg8[%dma_start3A, %dma_start3A_60] : memref<104x128xf32, #tpu.memory_space<vmem>> -> memref<16x128xf32, #tpu.memory_space<vmem>>
        %dma_start3A_62 = arith.constant 9984 : i32
        %dma_start3A_63 = arith.constant 0 : i32
        %dma_start3A_64 = tpu.memref_slice %arg5[%dma_start3A_62, %dma_start3A_63] : memref<10016x128xf32, #tpu.memory_space<hbm>> -> memref<16x128xf32, #tpu.memory_space<hbm>>
        %dma_start3A_65 = arith.constant 9984 : i32
        %dma_start3A_66 = arith.constant 0 : i32
        %dma_start3A_67 = tpu.memref_slice %arg5[%dma_start3A_65, %dma_start3A_66] : memref<10016x128xf32, #tpu.memory_space<hbm>> -> memref<16x128xf32, #tpu.memory_space<hbm>>
        %dma_start3A_68 = arith.constant 0 : i32
        %dma_start3A_69 = arith.constant 0 : i32
        %dma_start3A_70 = tpu.memref_slice %arg8[%dma_start3A_68, %dma_start3A_69] : memref<104x128xf32, #tpu.memory_space<vmem>> -> memref<16x128xf32, #tpu.memory_space<vmem>>
        tpu.enqueue_dma source(%dma_start3A_70 : memref<16x128xf32, #tpu.memory_space<vmem>>) target(%dma_start3A_67 : memref<16x128xf32, #tpu.memory_space<hbm>>) target_semaphore(%run_scoped3A : memref<!tpu.dma_semaphore, #tpu.memory_space<semaphore_mem>>)
        %dma_wait3A = arith.constant 0 : i32
        %dma_wait3A_71 = arith.constant 0 : i32
        %dma_wait3A_72 = tpu.memref_slice %arg8[%dma_wait3A, %dma_wait3A_71] : memref<104x128xf32, #tpu.memory_space<vmem>> -> memref<16x128xf32, #tpu.memory_space<vmem>>
        %dma_wait3A_73 = arith.constant 9984 : i32
        %dma_wait3A_74 = arith.constant 0 : i32
        %dma_wait3A_75 = tpu.memref_slice %arg5[%dma_wait3A_73, %dma_wait3A_74] : memref<10016x128xf32, #tpu.memory_space<hbm>> -> memref<16x128xf32, #tpu.memory_space<hbm>>
        %dma_wait3A_76 = arith.constant 9984 : i32
        %dma_wait3A_77 = arith.constant 0 : i32
        %dma_wait3A_78 = tpu.memref_slice %arg5[%dma_wait3A_76, %dma_wait3A_77] : memref<10016x128xf32, #tpu.memory_space<hbm>> -> memref<16x128xf32, #tpu.memory_space<hbm>>
        %dma_wait3A_79 = arith.constant 0 : i32
        %dma_wait3A_80 = arith.constant 0 : i32
        %dma_wait3A_81 = tpu.memref_slice %arg8[%dma_wait3A_79, %dma_wait3A_80] : memref<104x128xf32, #tpu.memory_space<vmem>> -> memref<16x128xf32, #tpu.memory_space<vmem>>
        tpu.wait_dma2 semaphore(%run_scoped3A : memref<!tpu.dma_semaphore, #tpu.memory_space<semaphore_mem>>) src(%dma_wait3A_81 : memref<16x128xf32, #tpu.memory_space<vmem>>) dst(%dma_wait3A_78 : memref<16x128xf32, #tpu.memory_space<hbm>>)
        tpu.yield
      }) : () -> ()
    } else {
    }
    %eq3A_55 = arith.constant 4 : i32
    %eq3A_56 = arith.cmpi eq, %add3A, %eq3A_55 : i32
    %convert_element_type3A_57 = arith.extui %eq3A_56 : i1 to i32
    %cond3A_58 = arith.constant 0 : i32
    %cond3A_59 = arith.cmpi ne, %convert_element_type3A_57, %cond3A_58 : i32
    scf.if %cond3A_59 {
      %scan3A_60 = arith.constant 0 : i32
      %scan3A_61 = arith.constant 0 : i32
      %scan3A_62 = arith.constant 16 : i32
      %scan3A_63 = arith.addi %scan3A_61, %scan3A_62 : i32
      %scan3A_64 = arith.constant 1 : i32
      scf.for %scan3A_66 = %scan3A_61 to %scan3A_63 step %scan3A_64  : i32 {
        %broadcast_in_dim3A = arith.constant 0.000000e+00 : f32
        %broadcast_in_dim3A_67 = vector.broadcast %broadcast_in_dim3A : f32 to vector<16xf32>
        %swap3A = arith.index_cast %scan3A_66 : i32 to index
        %swap3A_68 = arith.constant 0 : index
        %swap3A_69 = tpu.vector_load %arg10[%swap3A, %swap3A_68] {strides = array<i32>} : memref<16x128xf32, #tpu.memory_space<vmem>>, vector<1x16xf32>,
        %swap3A_70 = vector.shape_cast %swap3A_69 : vector<1x16xf32> to vector<16xf32>
        %swap3A_71 = vector.shape_cast %broadcast_in_dim3A_67 : vector<16xf32> to vector<1x16xf32>
        tpu.vector_store %arg10[%swap3A, %swap3A_68], %swap3A_71 {strides = array<i32>} : memref<16x128xf32, #tpu.memory_space<vmem>>, vector<1x16xf32>,
        %broadcast_in_dim3A_72 = arith.constant 0.000000e+00 : f32
        %broadcast_in_dim3A_73 = vector.broadcast %broadcast_in_dim3A_72 : f32 to vector<16xf32>
        %swap3A_74 = arith.index_cast %scan3A_66 : i32 to index
        %swap3A_75 = arith.constant 16 : index
        %swap3A_76 = tpu.vector_load %arg10[%swap3A_74, %swap3A_75] {strides = array<i32>} : memref<16x128xf32, #tpu.memory_space<vmem>>, vector<1x16xf32>,
        %swap3A_77 = vector.shape_cast %swap3A_76 : vector<1x16xf32> to vector<16xf32>
        %swap3A_78 = vector.shape_cast %broadcast_in_dim3A_73 : vector<16xf32> to vector<1x16xf32>
        tpu.vector_store %arg10[%swap3A_74, %swap3A_75], %swap3A_78 {strides = array<i32>} : memref<16x128xf32, #tpu.memory_space<vmem>>, vector<1x16xf32>,
        %broadcast_in_dim3A_79 = arith.constant 0.000000e+00 : f32
        %broadcast_in_dim3A_80 = vector.broadcast %broadcast_in_dim3A_79 : f32 to vector<16xf32>
        %swap3A_81 = arith.index_cast %scan3A_66 : i32 to index
        %swap3A_82 = arith.constant 32 : index
        %swap3A_83 = tpu.vector_load %arg10[%swap3A_81, %swap3A_82] {strides = array<i32>} : memref<16x128xf32, #tpu.memory_space<vmem>>, vector<1x16xf32>,
        %swap3A_84 = vector.shape_cast %swap3A_83 : vector<1x16xf32> to vector<16xf32>
        %swap3A_85 = vector.shape_cast %broadcast_in_dim3A_80 : vector<16xf32> to vector<1x16xf32>
        tpu.vector_store %arg10[%swap3A_81, %swap3A_82], %swap3A_85 {strides = array<i32>} : memref<16x128xf32, #tpu.memory_space<vmem>>, vector<1x16xf32>,
        %broadcast_in_dim3A_86 = arith.constant 0.000000e+00 : f32
        %broadcast_in_dim3A_87 = vector.broadcast %broadcast_in_dim3A_86 : f32 to vector<16xf32>
        %swap3A_88 = arith.index_cast %scan3A_66 : i32 to index
        %swap3A_89 = arith.constant 48 : index
        %swap3A_90 = tpu.vector_load %arg10[%swap3A_88, %swap3A_89] {strides = array<i32>} : memref<16x128xf32, #tpu.memory_space<vmem>>, vector<1x16xf32>,
        %swap3A_91 = vector.shape_cast %swap3A_90 : vector<1x16xf32> to vector<16xf32>
        %swap3A_92 = vector.shape_cast %broadcast_in_dim3A_87 : vector<16xf32> to vector<1x16xf32>
        tpu.vector_store %arg10[%swap3A_88, %swap3A_89], %swap3A_92 {strides = array<i32>} : memref<16x128xf32, #tpu.memory_space<vmem>>, vector<1x16xf32>,
        %broadcast_in_dim3A_93 = arith.constant 0.000000e+00 : f32
        %broadcast_in_dim3A_94 = vector.broadcast %broadcast_in_dim3A_93 : f32 to vector<16xf32>
        %swap3A_95 = arith.index_cast %scan3A_66 : i32 to index
        %swap3A_96 = arith.constant 64 : index
        %swap3A_97 = tpu.vector_load %arg10[%swap3A_95, %swap3A_96] {strides = array<i32>} : memref<16x128xf32, #tpu.memory_space<vmem>>, vector<1x16xf32>,
        %swap3A_98 = vector.shape_cast %swap3A_97 : vector<1x16xf32> to vector<16xf32>
        %swap3A_99 = vector.shape_cast %broadcast_in_dim3A_94 : vector<16xf32> to vector<1x16xf32>
        tpu.vector_store %arg10[%swap3A_95, %swap3A_96], %swap3A_99 {strides = array<i32>} : memref<16x128xf32, #tpu.memory_space<vmem>>, vector<1x16xf32>,
        %broadcast_in_dim3A_100 = arith.constant 0.000000e+00 : f32
        %broadcast_in_dim3A_101 = vector.broadcast %broadcast_in_dim3A_100 : f32 to vector<16xf32>
        %swap3A_102 = arith.index_cast %scan3A_66 : i32 to index
        %swap3A_103 = arith.constant 80 : index
        %swap3A_104 = tpu.vector_load %arg10[%swap3A_102, %swap3A_103] {strides = array<i32>} : memref<16x128xf32, #tpu.memory_space<vmem>>, vector<1x16xf32>,
        %swap3A_105 = vector.shape_cast %swap3A_104 : vector<1x16xf32> to vector<16xf32>
        %swap3A_106 = vector.shape_cast %broadcast_in_dim3A_101 : vector<16xf32> to vector<1x16xf32>
        tpu.vector_store %arg10[%swap3A_102, %swap3A_103], %swap3A_106 {strides = array<i32>} : memref<16x128xf32, #tpu.memory_space<vmem>>, vector<1x16xf32>,
        %broadcast_in_dim3A_107 = arith.constant 0.000000e+00 : f32
        %broadcast_in_dim3A_108 = vector.broadcast %broadcast_in_dim3A_107 : f32 to vector<16xf32>
        %swap3A_109 = arith.index_cast %scan3A_66 : i32 to index
        %swap3A_110 = arith.constant 96 : index
        %swap3A_111 = tpu.vector_load %arg10[%swap3A_109, %swap3A_110] {strides = array<i32>} : memref<16x128xf32, #tpu.memory_space<vmem>>, vector<1x16xf32>,
        %swap3A_112 = vector.shape_cast %swap3A_111 : vector<1x16xf32> to vector<16xf32>
        %swap3A_113 = vector.shape_cast %broadcast_in_dim3A_108 : vector<16xf32> to vector<1x16xf32>
        tpu.vector_store %arg10[%swap3A_109, %swap3A_110], %swap3A_113 {strides = array<i32>} : memref<16x128xf32, #tpu.memory_space<vmem>>, vector<1x16xf32>,
        %broadcast_in_dim3A_114 = arith.constant 0.000000e+00 : f32
        %broadcast_in_dim3A_115 = vector.broadcast %broadcast_in_dim3A_114 : f32 to vector<16xf32>
        %swap3A_116 = arith.index_cast %scan3A_66 : i32 to index
        %swap3A_117 = arith.constant 112 : index
        %swap3A_118 = tpu.vector_load %arg10[%swap3A_116, %swap3A_117] {strides = array<i32>} : memref<16x128xf32, #tpu.memory_space<vmem>>, vector<1x16xf32>,
        %swap3A_119 = vector.shape_cast %swap3A_118 : vector<1x16xf32> to vector<16xf32>
        %swap3A_120 = vector.shape_cast %broadcast_in_dim3A_115 : vector<16xf32> to vector<1x16xf32>
        tpu.vector_store %arg10[%swap3A_116, %swap3A_117], %swap3A_120 {strides = array<i32>} : memref<16x128xf32, #tpu.memory_space<vmem>>, vector<1x16xf32>,
      }
      %scan3A_65 = arith.constant 16 : i32
      "tpu.region"() ({
        %run_scoped3A = tpu.sem_alloc : memref<!tpu.dma_semaphore, #tpu.memory_space<semaphore_mem>>
        %dma_start3A = arith.constant 10000 : i32
        %dma_start3A_66 = arith.constant 0 : i32
        %dma_start3A_67 = tpu.memref_slice %arg5[%dma_start3A, %dma_start3A_66] : memref<10016x128xf32, #tpu.memory_space<hbm>> -> memref<16x128xf32, #tpu.memory_space<hbm>>
        %dma_start3A_68 = arith.constant 10000 : i32
        %dma_start3A_69 = arith.constant 0 : i32
        %dma_start3A_70 = tpu.memref_slice %arg5[%dma_start3A_68, %dma_start3A_69] : memref<10016x128xf32, #tpu.memory_space<hbm>> -> memref<16x128xf32, #tpu.memory_space<hbm>>
        tpu.enqueue_dma source(%arg10 : memref<16x128xf32, #tpu.memory_space<vmem>>) target(%dma_start3A_70 : memref<16x128xf32, #tpu.memory_space<hbm>>) target_semaphore(%run_scoped3A : memref<!tpu.dma_semaphore, #tpu.memory_space<semaphore_mem>>)
        %dma_wait3A = arith.constant 10000 : i32
        %dma_wait3A_71 = arith.constant 0 : i32
        %dma_wait3A_72 = tpu.memref_slice %arg5[%dma_wait3A, %dma_wait3A_71] : memref<10016x128xf32, #tpu.memory_space<hbm>> -> memref<16x128xf32, #tpu.memory_space<hbm>>
        %dma_wait3A_73 = arith.constant 10000 : i32
        %dma_wait3A_74 = arith.constant 0 : i32
        %dma_wait3A_75 = tpu.memref_slice %arg5[%dma_wait3A_73, %dma_wait3A_74] : memref<10016x128xf32, #tpu.memory_space<hbm>> -> memref<16x128xf32, #tpu.memory_space<hbm>>
        tpu.wait_dma2 semaphore(%run_scoped3A : memref<!tpu.dma_semaphore, #tpu.memory_space<semaphore_mem>>) src(%arg10 : memref<16x128xf32, #tpu.memory_space<vmem>>) dst(%dma_wait3A_75 : memref<16x128xf32, #tpu.memory_space<hbm>>)
        tpu.yield
      }) : () -> ()
    } else {
    }
    return
  }
}

module attributes {stable_mosaic.version = 14 : i64} {
  func.func @body(%arg0: i32, %arg1: memref<2000x128xf32, #tpu.memory_space<vmem>>, %arg2: memref<2000x128xf32, #tpu.memory_space<vmem>>) attributes {dimension_semantics = [#tpu.dimension_semantics<arbitrary>], iteration_bounds = array<i64: 21>, scalar_prefetch = 0 : i64, scratch_operands = 0 : i64, tpu.core_type = #tpu.core_type<tc>, window_params = [{transform_indices = @transform_0, window_bounds = array<i64: 2000, 128>}, {transform_indices = @transform_1, window_bounds = array<i64: 2000, 128>}]} {
    %lt3A = arith.constant 20 : i32
    %lt3A_0 = arith.cmpi slt, %arg0, %lt3A : i32
    %convert_element_type3A = arith.extui %lt3A_0 : i1 to i32
    %cond3A = arith.constant 0 : i32
    %cond3A_1 = arith.cmpi ne, %convert_element_type3A, %cond3A : i32
    scf.if %cond3A_1 {
      %get3A = arith.constant 0 : index
      %get3A_6 = arith.constant 0 : index
      %get3A_7 = vector.load %arg1[%get3A, %get3A_6] : memref<2000x128xf32, #tpu.memory_space<vmem>>, vector<2000x128xf32>
      %swap3A = arith.constant 0 : index
      %swap3A_8 = arith.constant 0 : index
      %swap3A_9 = vector.load %arg2[%swap3A, %swap3A_8] : memref<2000x128xf32, #tpu.memory_space<vmem>>, vector<2000x128xf32>
      tpu.vector_store %arg2[%swap3A, %swap3A_8], %get3A_7 {strides = array<i32>} : memref<2000x128xf32, #tpu.memory_space<vmem>>, vector<2000x128xf32>,
    } else {
    }
    %ge3A = arith.constant 20 : i32
    %ge3A_2 = arith.cmpi sge, %arg0, %ge3A : i32
    %convert_element_type3A_3 = arith.extui %ge3A_2 : i1 to i32
    %cond3A_4 = arith.constant 0 : i32
    %cond3A_5 = arith.cmpi ne, %convert_element_type3A_3, %cond3A_4 : i32
    scf.if %cond3A_5 {
      %broadcast_in_dim3A = arith.constant 0.000000e+00 : f32
      %broadcast_in_dim3A_6 = vector.broadcast %broadcast_in_dim3A : f32 to vector<2000x128xf32>
      %swap3A = arith.constant 0 : index
      %swap3A_7 = arith.constant 0 : index
      %swap3A_8 = vector.load %arg2[%swap3A, %swap3A_7] : memref<2000x128xf32, #tpu.memory_space<vmem>>, vector<2000x128xf32>
      tpu.vector_store %arg2[%swap3A, %swap3A_7], %broadcast_in_dim3A_6 {strides = array<i32>} : memref<2000x128xf32, #tpu.memory_space<vmem>>, vector<2000x128xf32>,
    } else {
    }
    return
  }
  func.func @transform_0(%arg0: i32) -> (i32, i32) {
    %min3A = arith.constant 19 : i32
    %min3A_0 = arith.minsi %arg0, %min3A : i32
    %c0_i32 = arith.constant 0 : i32
    %c0_i32_1 = arith.constant 0 : i32
    return %min3A_0, %c0_i32 : i32, i32
  }
  func.func @transform_1(%arg0: i32) -> (i32, i32) {
    %c0_i32 = arith.constant 0 : i32
    %c0_i32_0 = arith.constant 0 : i32
    return %arg0, %c0_i32 : i32, i32
  }
}

module attributes {stable_mosaic.version = 14 : i64} {
  func.func @patch_body(%arg0: i32, %arg1: memref<1x1x128xi32, #tpu.memory_space<vmem>>, %arg2: memref<2x330000xi32, #tpu.memory_space<hbm>>, %arg3: memref<2x128xi32, #tpu.memory_space<vmem>>) attributes {dimension_semantics = [#tpu.dimension_semantics<arbitrary>], iteration_bounds = array<i64: 1>, scalar_prefetch = 0 : i64, scratch_operands = 0 : i64, tpu.core_type = #tpu.core_type<tc>, window_params = [{pipeline_mode = #tpu.pipeline_mode<synchronous>, transform_indices = @transform_0, window_bounds = array<i64: 1, 1, 128>}, {}, {transform_indices = @transform_2, window_bounds = array<i64: 2, 128>}]} {
    %iota3A = tpu.iota {dimensions = array<i32: 1>} : vector<1x128xi32>
    %add3A = arith.constant 9984 : i32
    %add3A_0 = vector.broadcast %add3A : i32 to vector<1x128xi32>
    %add3A_1 = arith.addi %add3A_0, %iota3A : vector<1x128xi32>
    %get3A = arith.constant 0 : index
    %get3A_2 = arith.constant 0 : index
    %get3A_3 = arith.constant 0 : index
    %get3A_4 = vector.load %arg1[%get3A, %get3A_2, %get3A_3] : memref<1x1x128xi32, #tpu.memory_space<vmem>>, vector<1x1x128xi32>
    %get3A_5 = vector.shape_cast %get3A_4 : vector<1x1x128xi32> to vector<1x128xi32>
    %add3A_6 = arith.constant 10000 : i32
    %add3A_7 = vector.broadcast %add3A_6 : i32 to vector<1x128xi32>
    %add3A_8 = arith.addi %get3A_5, %add3A_7 : vector<1x128xi32>
    %concatenate3A = tpu.concatenate %add3A_1, %add3A_8 in 0 : vector<1x128xi32>, vector<1x128xi32> -> vector<2x128xi32>
    %swap3A = arith.constant 0 : index
    %swap3A_9 = arith.constant 0 : index
    %swap3A_10 = vector.load %arg3[%swap3A, %swap3A_9] : memref<2x128xi32, #tpu.memory_space<vmem>>, vector<2x128xi32>
    tpu.vector_store %arg3[%swap3A, %swap3A_9], %concatenate3A {strides = array<i32>} : memref<2x128xi32, #tpu.memory_space<vmem>>, vector<2x128xi32>,
    return
  }
  func.func @transform_0(%arg0: i32) -> (i32, i32, i32) {
    %c0_i32 = arith.constant 0 : i32
    %c0_i32_0 = arith.constant 0 : i32
    %c0_i32_1 = arith.constant 0 : i32
    %c0_i32_2 = arith.constant 0 : i32
    return %c0_i32, %c0_i32_0, %c0_i32_1 : i32, i32, i32
  }
  func.func @transform_2(%arg0: i32) -> (i32, i32) {
    %c0_i32 = arith.constant 0 : i32
    %c2578_i32 = arith.constant 2578 : i32
    %c0_i32_0 = arith.constant 0 : i32
    return %c0_i32, %c2578_i32 : i32, i32
  }
}

</mosaic_0001>

<sc_bundles>
// kernel: kernel.5.cloned.1.call-start
scs
__scs_entry_jumppad:
0x0: {  	(pc) =	sbr.rel $0x88, $3  }
0x1: {  	(tag) =	ssettag $0x0;
	lr =	simm.s32 $0x1  }
0x2: {  	[smem:$0x3F9D] =	sst lr;
	_ =	strace $0xD0000000  }
0x3: {  	_ = 	snop  }
0x4: {  	_ = 	snop  }
0x5: {  	_ = 	snop  }
0x6: {  	_ = 	snop  }
0x7: {  	_ = 	snop  }
__scs_overlays_trampoline_lowered:
0x8: {  	[smem:$0x3FAC] =	sst s0  }
0x9: {  	[smem:$0x3FAD] =	sst s1  }
0xa: {  	[smem:$0x3FAE] =	sst s2  }
0xb: {  	[smem:$0x3FAF] =	sst s3  }
0xc: {  	[smem:$0x3FB0] =	sst s4  }
0xd: {  	[smem:$0x3FB1] =	sst s5  }
0xe: {  	[smem:$0x3FB2] =	sst s6  }
0xf: {  	[smem:$0x3FB3] =	sst s7  }
0x10: {  	[smem:$0x3FB4] =	sst s8  }
0x11: {  	[smem:$0x3FB5] =	sst s9;
	s0 =	simm.s32 @!p0 $0x0  }
0x12: {  	s1 =	sld [smem:$0x3F9B];
	s0 =	simm.s32 @p0 $0x1  }
0x13: {  	[smem:$0x3FB6] =	sst s0;
	s0 =	simm.s32 @!p1 $0x0  }
0x14: {  	s2 =	sld [smem:$0x3F9A];
	s0 =	simm.s32 @p1 $0x1  }
0x15: {  	[smem:$0x3FB7] =	sst s0;
	s0 =	simm.s32 @!p2 $0x0  }
0x16: {  	s3 =	sld [smem:$0x3FDB];
	s0 =	simm.s32 @p2 $0x1  }
0x17: {  	s4 =	simm.s32 $0x1BF5;
	[smem:$0x3FB9] =	sst s0  }
0x18: {  	s0 =	sld [smem:$0x3F9C];
	_ =	swait.ge [sflag:s4], $0x0  }
0x19: {  	s7 =	sld [smem:$0x3F9D]  }
0x1a: {  	s8 =	sadd.s32 $0xFFFFE003, lr  }
0x1b: {  	s9 =	sadd.s32 $0xFFFFFEF7, lr;
	s5 =	simm.s32 $0xFFFFFFFF;
	p2 =	slt.u32 s8, $0xFFFFF086  }
0x1c: {  	p1 =	slt.u32 s9, $0xF7A;
	s5 =	simm.s32 @!p2 $0x0  }
0x1d: {  	s5 =	simm.s32 @p1 $0x1;
	p0 =	seq.s32 s7, s2  }
0x1e: {  	s7 =	smul.u32 @!p0 $0xF7A, s2;
	p2 =	seq.s32 @!p0 s5, $0x0  }
0x1f: {  	s9 =	smul.u32 $0xF7A, s1;
	s8 =	simm.s32 @!p0 $0x1BF5;
	p2 =	por !p2, p0  }
0x20: {  	[sflag:s8] =	ssyncset.s32 @!p0 $0xFFFFF086;
	s6 =	sadd.s32 @!p0 s3, s7;
	s7 =	simm.s32 @!p0 $0x108  }
0x21: {  	s3 =	sadd.s32 s3, s9;
	s6 =	sadd.s32 @!p0 $0x88, s6;
	s7 =	simm.s32 @p2 $0x1082  }
0x22: {  	[simem:s7], [sflag:s8] =	dma.local @!p0 [hbm:s6], $0xF7A  }
0x23: {  	s9 =	sor.u32 $0xD0000000, s2;
	s6 =	simm.s32 $0x108;
	_ =	swait.ge @!p0 [sflag:s8], $0x0  }
0x24: {  	s3 =	sadd.s32 $0x88, s3;
	s6 =	simm.s32 @!p1 $0x1082;
	[sflag:s4] =	ssyncset.s32 $0xFFFFF086  }
0x25: {  	[simem:s6], [sflag:s4] =	dma.local [hbm:s3], $0xF7A  }
0x26: {  	[smem:$0x3F9D] =	sst s1;
	(tag) =	ssettag s2;
	_ =	strace s9  }
0x27: {  	s1 =	sld [smem:$0x3FAD]  }
0x28: {  	s2 =	sld [smem:$0x3FAE]  }
0x29: {  	s4 =	sld [smem:$0x3FB0]  }
0x2a: {  	p0 =	seq.s32 s5, $0x0;
	s5 =	sld [smem:$0x3FB1]  }
0x2b: {  	s6 =	sld [smem:$0x3FB2]  }
0x2c: {  	s7 =	sld [smem:$0x3FB3]  }
0x2d: {  	s3 =	simm.s32 $0x108;
	s8 =	sld [smem:$0x3FB4]  }
0x2e: {  	s3 =	simm.s32 @!p0 $0x1082;
	s9 =	sld [smem:$0x3FB5]  }
0x2f: {  	lr =	sadd.s32 s0, s3;
	s0 =	sld [smem:$0x3FAC]  }
0x30: {  	s3 =	sld [smem:$0x3FAF]  }
0x31: {  	[smem:$0x3FB8] =	sst s10  }
0x32: {  	s10 =	sld [smem:$0x3FB6];
	_ =	sdelay $0x3  }
0x33: {  	p0 =	seq.s32 s10, $0x1;
	s10 =	sld [smem:$0x3FB8];
	_ =	sdelay $0x3  }
0x34: {  	[smem:$0x3FB8] =	sst s10  }
0x35: {  	s10 =	sld [smem:$0x3FB7];
	_ =	sdelay $0x3  }
0x36: {  	p1 =	seq.s32 s10, $0x1;
	s10 =	sld [smem:$0x3FB8];
	_ =	sdelay $0x3  }
0x37: {  	[smem:$0x3FB8] =	sst s10  }
0x38: {  	s10 =	sld [smem:$0x3FB9]  }
0x39: {  	_ = 	snop;
	(pc) =	sbr.ind lr, $3  }
0x3a: {  	_ = 	snop  }
0x3b: {  	_ = 	snop  }
0x3c: {  	p2 =	seq.s32 s10, $0x1;
	s10 =	sld [smem:$0x3FB8]  }
0x3d: {  	_ =	shalt  }
0x3e: {  	_ =	shalt  }
0x3f: {  	_ =	shalt  }
0x40: {  	_ =	shalt  }
0x41: {  	_ =	shalt  }
0x42: {  	_ =	shalt  }
0x43: {  	_ =	shalt  }
0x44: {  	_ =	shalt  }
0x45: {  	_ =	shalt  }
0x46: {  	_ =	shalt  }
0x47: {  	_ =	shalt  }
0x48: {  	_ =	shalt  }
0x49: {  	_ =	shalt  }
0x4a: {  	_ =	shalt  }
0x4b: {  	_ =	shalt  }
0x4c: {  	_ =	shalt  }
0x4d: {  	_ =	shalt  }
0x4e: {  	_ =	shalt  }
0x4f: {  	_ =	shalt  }
0x50: {  	_ =	shalt  }
0x51: {  	_ =	shalt  }
0x52: {  	_ =	shalt  }
0x53: {  	_ =	shalt  }
0x54: {  	_ =	shalt  }
0x55: {  	_ =	shalt  }
0x56: {  	_ =	shalt  }
0x57: {  	_ =	shalt  }
0x58: {  	_ =	shalt  }
0x59: {  	_ =	shalt  }
0x5a: {  	_ =	shalt  }
0x5b: {  	_ =	shalt  }
0x5c: {  	_ =	shalt  }
0x5d: {  	_ =	shalt  }
0x5e: {  	_ =	shalt  }
0x5f: {  	_ =	shalt  }
0x60: {  	_ =	shalt  }
0x61: {  	_ =	shalt  }
0x62: {  	_ =	shalt  }
0x63: {  	_ =	shalt  }
0x64: {  	_ =	shalt  }
0x65: {  	_ =	shalt  }
0x66: {  	_ =	shalt  }
0x67: {  	_ =	shalt  }
0x68: {  	_ =	shalt  }
0x69: {  	_ =	shalt  }
0x6a: {  	_ =	shalt  }
0x6b: {  	_ =	shalt  }
0x6c: {  	_ =	shalt  }
0x6d: {  	_ =	shalt  }
0x6e: {  	_ =	shalt  }
0x6f: {  	_ =	shalt  }
0x70: {  	_ =	shalt  }
0x71: {  	_ =	shalt  }
0x72: {  	_ =	shalt  }
0x73: {  	_ =	shalt  }
0x74: {  	_ =	shalt  }
0x75: {  	_ =	shalt  }
0x76: {  	_ =	shalt  }
0x77: {  	_ =	shalt  }
0x78: {  	_ =	shalt  }
0x79: {  	_ =	shalt  }
0x7a: {  	_ =	shalt  }
0x7b: {  	_ =	shalt  }
0x7c: {  	_ =	shalt  }
0x7d: {  	_ =	shalt  }
0x7e: {  	_ =	shalt  }
0x7f: {  	_ =	shalt  }
0x80: {  	_ =	shalt  }
0x81: {  	_ =	shalt  }
0x82: {  	_ =	shalt  }
0x83: {  	_ =	shalt  }
0x84: {  	_ =	shalt  }
0x85: {  	_ =	shalt  }
0x86: {  	_ =	shalt  }
0x87: {  	_ =	shalt  }
.Lfunc_end0:
.L_simem_size_0:
called_computation_lowered:
.L_overlay_start_0:
0x88: {  	s2 =	sld [smem:$0x3FD9]  }
0x89: {  	s3 =	sld [smem:$0x3FFE];
	_ =	sdelay $0x1  }
0x8a: {  	s1 =	srdreg.scid  }
0x8b: {  	s0 =	sand.u32 $0x1, s1  }
0x8c: {  	s15 =	sshll.u32 s0, $0xA;
	s2 =	sadd.s32 s3, s2  }
0x8d: {  	s2 =	sadd.s32 s2, s15  }
0x8e: {  	[smem:$0x3FC4] =	sst s2  }
0x8f: {  	_ = 	snop  }
0x90: {  	s2 =	sld [smem:$0x3FD0]  }
0x91: {  	s16 =	sld [smem:$0x3FC9]  }
0x92: {  	s4 =	sld [smem:$0x3FC8]  }
0x93: {  	s6 =	simm.s32 $0xA;
	s7 =	simm.s32 $0x10;
	s5 =	sld [smem:$0x3FC6]  }
0x94: {  	[smem:s7], [sflag:s6] =	dma.local [hbm:s2], $0x1  }
0x95: {  	_ =	swait.eq [sflag:s6], $0x1  }
0x96: {  	s17 =	sld [smem:$0x10];
	[sflag:s6] =	ssyncset.done $0x0  }
0x97: {  	s18 =	sld [smem:$0x11];
	[sflag:s6] =	ssyncadd.s32 $0xFFFFFFFF  }
0x98: {  	s19 =	sld [smem:$0x13];
	(tm) =	ssettm $0x1  }
0x99: {  	s8 =	sld [smem:$0x3FFB];
	_ =	sdelay $0x3  }
0x9a: {  	_ =	strace s8  }
0x9b: {  	s8 =	sld [smem:$0x3FFC];
	_ =	sdelay $0x3  }
0x9c: {  	_ =	strace s8  }
0x9d: {  	s8 =	sld [smem:$0x3FFD];
	_ =	sdelay $0x3  }
0x9e: {  	_ =	strace s8  }
0x9f: {  	_ =	strace $0x8FFFFFFF  }
0xa0: {  	s20 =	sld [smem:$0x3FDB];
	_ =	sdelay $0x1  }
0xa1: {  	s9 =	simm.s32 $_scs_section_size  }
0xa2: {  	s10 =	simm.s32 $_size__tile_overlayer_lowered;
	s11 =	simm.s32 $_tile_overlayer_lowered  }
0xa3: {  	s23 =	simm.s32 $0x1BFF;
	s22 =	sshll.u32 s11, $0x1;
	s8 =	sadd.s32 s9, s20  }
0xa4: {  	s12 =	simm.s32 $0x0;
	s21 =	sshll.u32 s10, $0x1;
	s10 =	sadd.s32 s22, s8  }
0xa5: {  	[timem:s12], [sflag:s23] =	dma.local [hbm:s10], s21  }
0xa6: {  	_ =	swait.ge [sflag:s23], s21  }
0xa7: {  	s9 =	ssub.s32 $0x0, s21;
	[sflag:s23] =	ssyncset.done $0x0  }
0xa8: {  	[sflag:s23] =	ssyncadd.s32 s9;
	_ =	sdelay $0x1  }
0xa9: {  	s24 =	simm.s32 $0x1B8B  }
0xaa: {  	_ =	swait.ge [sflag:s24], $0x1  }
0xab: {  	[sflag:s24] =	ssyncset.done $0x0  }
0xac: {  	s25 =	simm.s32 $0x1B8E;
	[sflag:s24] =	ssyncadd.s32 $0xFFFFFFFF  }
0xad: {  	s26 =	simm.s32 $execute0_lowered;
	[smem:$0x3FD2] =	sst s25  }
0xae: {  	s9 =	sshll.u32 s26, $0x1;
	_ =	strace $0x80000046;
	[dreg:$0x1] =	wrdreg $0xFFFFFFFF  }
0xaf: {  	s28 =	simm.s32 $_size_execute0_lowered;
	s8 =	sadd.s32 s8, s9;
	[dreg:$0x0] =	wrdreg $0x0  }
0xb0: {  	s9 =	sshll.u32 s28, $0x1;
	[dreg:$0x2] =	wrdreg s8  }
0xb1: {  	[dreg:$0x3] =	wrdreg s9  }
0xb2: {  	[dreg:$0x4] =	wrdreg $0xC0  }
0xb3: {  	_ =	task [dreg:s12], $0x5FFFF  }
0xb4: {  	[dreg:$0x1] =	wrdreg $0xFFFFFFFF  }
0xb5: {  	[dreg:$0x0] =	wrdreg $0x60  }
0xb6: {  	[dreg:$0x2] =	wrdreg s16  }
0xb7: {  	[dreg:$0x3] =	wrdreg s4  }
0xb8: {  	[dreg:$0x4] =	wrdreg s5  }
0xb9: {  	[dreg:$0x5] =	wrdreg s17  }
0xba: {  	[dreg:$0x6] =	wrdreg s18  }
0xbb: {  	[dreg:$0x7] =	wrdreg s19  }
0xbc: {  	[dreg:$0x8] =	wrdreg $0x9  }
0xbd: {  	_ =	task.clear_ibuf [dreg:s12], $0x9FFFF;
	_ =	strace $0x90000046  }
0xbe: {  	s29 =	simm.s32 $0x9;
	_ =	strace $0x80000048  }
0xbf: {  	_ =	swait.ge [sflag:s29], $0x1  }
0xc0: {  	[sflag:s29] =	ssyncadd.s32 $0xFFFFFFFF  }
0xc1: {  	_ =	strace $0x90000048  }
0xc2: {  	_ =	sfence  }
0xc3: {  	s30 =	sld [smem:$0x0];
	_ =	sdelay $0x2  }
0xc4: {  	s31 =	sshll.u32 s1, $0xD;
	s1 =	sshrl.u32 s1, $0x2  }
0xc5: {  	s3 =	sand.u32 $0x4000, s31;
	s1 =	sadd.s32 s1, s30  }
0xc6: {  	s0 =	sor.u32 s3, s0;
	s1 =	sshll.u32 s1, $0x11  }
0xc7: {  	s0 =	sor.u32 s1, s0  }
0xc8: {  	s0 =	sadd.s32 $0x8F2B, s0  }
0xc9: {  	[sflag:s0] =	ssyncadd.remote.s32 $0x1  }
0xca: {  	_ =	sfence.sel $0xFFFF  }
0xcb: {  	[dreg:$0x0] =	wrdreg $0xFFFFFFFF;
	(pc) =	sbr.abs _section_cstart, $3  }
0xcc: {  	[dreg:$0x1] =	wrdreg $0xFFFFFFFF  }
0xcd: {  	_ =	task.clear_ibuf [dreg:s12], $0x2FFFF;
	_ =	strace $0x9FFFFFFF  }
0xce: {  	(tm) =	ssettm $0x7FFFFFFF  }
0xcf: {  	_ =	shalt  }
tec
execute0_lowered:
.L_overlay_start_1:
0x0: {  	(tag) =	ssettag $0x1  }
0x1: {  	s22 =	rddreg [dreg:$0x0]  }
0x2: {  	s0 =	rddreg [dreg:$0x1]  }
0x3: {  	s1 =	rddreg [dreg:$0x2]  }
0x4: {  	s24 =	rddreg [dreg:$0x3]  }
0x5: {  	s2 =	srdreg.scid;
	s23 =	rddreg [dreg:$0x4]  }
0x6: {  	s29 =	stileid.u32;
	s20 =	rddreg [dreg:$0x5]  }
0x7: {  	s13 =	sand.u32 $0x1, s2;
	s16 =	sshll.u32 s29, $0x1;
	s2 =	simm.s32 $0x0  }
0x8: {  	s19 =	sshll.u32 s29, $0x9;
	s25 =	sshll.u32 s29, $0x8;
	s18 =	sor.u32 s13, s16  }
0x9: {  	p4 =	sgt.u32 s29, $0xC;
	p5 =	sgt.u32 s29, $0x6;
	s4 =	smul.u32 $0x1380, s18  }
0xa: {  	[smem:$0x7FF] =	sst s2;
	s3 =	ssub.s32 $0x2, s13;
	s5 =	smul.u32 $0x9C00, s18  }
0xb: {  	s16 =	sshll.u32 s13, $0x8;
	_ =	strace $0x80000047;
	s8 =	smul.u32 $0x4E00, s18  }
0xc: {  	s6 =	sshrl.u32 s3, $0x1;
	s10 =	smul.u32 $0x9C0, s18;
	s26 =	sshll.u32 s18, $0x6  }
0xd: {  	p0 =	sgt.s32 s18, $0x14;
	p1 =	seq.s32 s18, $0x0;
	p2 =	seq.s32 s18, $0x4  }
0xe: {  	p3 =	seq.s32 s18, $0x19;
	s21 =	ssub.s32 s3, s6;
	s3 =	sadd.s32 s22, s4  }
0xf: {  	s17 =	sshrl.u32 s5, $0x3;
	s4 =	sadd.s32 s24, s4;
	s12 =	sshrl.u32 s8, $0x3  }
0x10: {  	s30 =	smax.u32 s21, $0x1;
	s7 =	sadd.s32 $0x680, s17;
	s9 =	sadd.s32 $0xD00, s17  }
0x11: {  	s14 =	sadd.s32 $0x340, s12;
	s15 =	sadd.s32 $0x680, s12;
	s17 =	smul.u32 $0x30, s18  }
0x12: {  	s12 =	sor.u32 s16, s19;
	s19 =	sshll.u32 s13, $0x7;
	s5 =	sadd.s32 s22, s7  }
0x13: {  	s6 =	sadd.s32 s24, s7;
	s7 =	sadd.s32 s22, s9;
	s8 =	sadd.s32 s24, s9  }
0x14: {  	s9 =	sadd.s32 s0, s10;
	s10 =	sadd.s32 s23, s10;
	s11 =	sadd.s32 s0, s14  }
0x15: {  	s13 =	sadd.s32 s23, s14;
	s25 =	sor.u32 s19, s25;
	s14 =	sadd.s32 s0, s15  }
0x16: {  	s15 =	sadd.s32 s23, s15;
	s19 =	sadd.s32 s26, s23;
	s26 =	simm.s32 @!p2 $0x0  }
0x17: {  	s22 =	sadd.s32 $0x27000, s22;
	s0 =	sadd.s32 $0x13800, s0;
	s16 =	sadd.s32 s1, s17  }
0x18: {  	s17 =	sadd.s32 s20, s17;
	s26 =	simm.s32 @p2 $0x1;
	[dreg:$0x9] =	wrdreg s22  }
0x19: {  	p2 =	sne.s32 @!p3 s18, $0x15;
	s19 =	sadd.s32 $0x13880, s19;
	[dreg:$0xe] =	wrdreg s0  }
0x1a: {  	[smem:$0x7FD] =	sst s26;
	s26 =	sshll.u32 s18, $0x5;
	s18 =	sshll.u32 s18, $0x4  }
0x1b: {  	s28 =	sadd.s32 s18, s1;
	s18 =	sadd.s32 s1, s26;
	s1 =	sadd.s32 $0x4E0, s1  }
0x1c: {  	s26 =	sadd.s32 s23, s26;
	s28 =	sadd.s32 $0x400, s28;
	[dreg:$0xc] =	wrdreg s1  }
0x1d: {  	s31 =	sor.u32 $0x2000, s25;
	s26 =	sadd.s32 $0x14080, s26;
	[dreg:$0x7] =	wrdreg s28  }
.Ltmp0:
0x1e: {  	[dreg:$0x8] =	wrdreg s26;
	s28 =	sadd.s32 $0x27100, s24;
	(pc) =	sbr.rel .LBB2_1-.Ltmp0, $4  }
0x1f: {  	s0 =	simm.s32 $0x3400;
	s24 =	sadd.s32 $0x27000, s24;
	[dreg:$0xa] =	wrdreg s28  }
0x20: {  	p6 =	por p2, p3;
	s26 =	sadd.s32 $0x4E0, s20;
	[dreg:$0xb] =	wrdreg s24  }
0x21: {  	s1 =	simm.s32 $0x1;
	[dreg:$0xd] =	wrdreg s26;
	s28 =	sadd.s32 $0x13800, s23  }
0x22: {  	v0 =	vlaneseq.u32;
	v1 =	vimm.f32 $0.0e+00;
	s23 =	simm.s32 $0x5800;
	s24 =	simm.s32 $0x0;
	[dreg:$0xf] =	wrdreg s28  }
.LBB2_13:
0x23: {  	s20 =	simm.s32 @p3 $0x0;
	s21 =	simm.s32 @p3 $0x5900;
	s22 =	rddreg [dreg:$0xc]  }
0x24: {  	[tilespmem:s21], [sflag:$0x1] =	stream.linear.gather @p3 [hbm4b:s22+s20], $0x10, $0x38;
	[tilespmem:$0x5B00] =	vst v63  }
0x25: {  	s22 =	simm.s32 @p3 $0x1  }
0x26: {  	_ =	swait.ge @p3 [sflag:s22], $0x10  }
0x27: {  	[sflag:s22] =	ssyncset.done @p3 $0x0  }
0x28: {  	v2 =	vlaneseq.u32 @p3;
	[sflag:s22] =	ssyncadd.s32 @p3 $0xFFFFFFF0  }
0x29: {  	s25 =	rddreg [dreg:$0xd];
	[tilespmem:$0x5910] =	vst @p3 v2  }
0x2a: {  	[hbm4b:s25+s20] =	stream.linear.scatter @p3 [tilespmem:s21], [sflag:$0x1], $0x20, $0x38;
	[tilespmem:$0x5B00] =	vst v63  }
0x2b: {  	_ =	swait.ge @p3 [sflag:s22], $0x20  }
0x2c: {  	s20 =	simm.s32 @!p6 $0x0;
	[sflag:s22] =	ssyncset.done @p3 $0x0  }
0x2d: {  	s21 =	simm.s32 @!p6 $0x3400;
	[sflag:s22] =	ssyncadd.s32 @p3 $0xFFFFFFE0;
	s22 =	rddreg [dreg:$0xe]  }
0x2e: {  	[tilespmem:s21], [sflag:$0x1] =	stream.linear.gather @!p6 [hbm4b:s22+s20], $0x400, $0x38;
	[tilespmem:$0x5B00] =	vst v63  }
0x2f: {  	s22 =	simm.s32 @!p6 $0x1  }
0x30: {  	_ =	swait.ge @!p6 [sflag:s22], $0x400  }
0x31: {  	[sflag:s22] =	ssyncset.done @!p6 $0x0  }
0x32: {  	s25 =	rddreg [dreg:$0xf];
	[sflag:s22] =	ssyncadd.s32 @!p6 $0xFFFFFC00  }
0x33: {  	[hbm4b:s25+s20] =	stream.linear.scatter @!p6 [tilespmem:s21], [sflag:$0x1], $0x400, $0x38;
	[tilespmem:$0x5B00] =	vst v63  }
0x34: {  	_ =	swait.ge @!p6 [sflag:s22], $0x400  }
0x35: {  	[sflag:s22] =	ssyncset.done @!p6 $0x0  }
0x36: {  	[sflag:s22] =	ssyncadd.s32 @!p6 $0xFFFFFC00  }
.LBB2_15:
0x37: {  	s24 =	sadd.s32 $0x1, s24  }
0x38: {  	p2 =	sne.s32 s24, s30  }
.Ltmp1:
0x39: {  	_ = 	snop;
	(pc) =	sbr.rel @!p2 .LBB2_16-.Ltmp1, $1  }
0x3a: {  	_ =	sdelay $0x3  }
.LBB2_1:
0x3b: {  	[tilespmem:s2], [sflag:$0x1] =	stream.linear.gather [hbm4b:s3+s2], $0x3400, $0x38;
	[tilespmem:$0x5B00] =	vst v63  }
0x3c: {  	_ =	swait.ge [sflag:s1], $0x3400  }
0x3d: {  	[sflag:s1] =	ssyncset.done $0x0  }
0x3e: {  	[sflag:s1] =	ssyncadd.s32 $0xFFFFCC00  }
0x3f: {  	[hbm4b:s4+s2] =	stream.linear.scatter [tilespmem:s2], [sflag:$0x1], $0x3400, $0x38;
	[tilespmem:$0x5B00] =	vst v63  }
0x40: {  	_ =	swait.ge [sflag:s1], $0x3400  }
0x41: {  	[sflag:s1] =	ssyncset.done $0x0  }
0x42: {  	[sflag:s1] =	ssyncadd.s32 $0xFFFFCC00  }
0x43: {  	[tilespmem:s2], [sflag:$0x1] =	stream.linear.gather [hbm4b:s5+s2], $0x3400, $0x38;
	[tilespmem:$0x5B00] =	vst v63  }
0x44: {  	_ =	swait.ge [sflag:s1], $0x3400  }
0x45: {  	[sflag:s1] =	ssyncset.done $0x0  }
0x46: {  	[sflag:s1] =	ssyncadd.s32 $0xFFFFCC00  }
0x47: {  	[hbm4b:s6+s2] =	stream.linear.scatter [tilespmem:s2], [sflag:$0x1], $0x3400, $0x38;
	[tilespmem:$0x5B00] =	vst v63  }
0x48: {  	_ =	swait.ge [sflag:s1], $0x3400  }
0x49: {  	[sflag:s1] =	ssyncset.done $0x0  }
0x4a: {  	[sflag:s1] =	ssyncadd.s32 $0xFFFFCC00  }
0x4b: {  	[tilespmem:s2], [sflag:$0x1] =	stream.linear.gather [hbm4b:s7+s2], $0x3400, $0x38;
	[tilespmem:$0x5B00] =	vst v63  }
0x4c: {  	_ =	swait.ge [sflag:s1], $0x3400  }
0x4d: {  	[sflag:s1] =	ssyncset.done $0x0  }
0x4e: {  	[sflag:s1] =	ssyncadd.s32 $0xFFFFCC00  }
0x4f: {  	[hbm4b:s8+s2] =	stream.linear.scatter [tilespmem:s2], [sflag:$0x1], $0x3400, $0x38;
	[tilespmem:$0x5B00] =	vst v63  }
0x50: {  	_ =	swait.ge [sflag:s1], $0x3400  }
0x51: {  	[sflag:s1] =	ssyncset.done $0x0  }
0x52: {  	[sflag:s1] =	ssyncadd.s32 $0xFFFFCC00  }
0x53: {  	[tilespmem:s0], [sflag:$0x1] =	stream.linear.gather [hbm4b:s9+s2], $0x1A00, $0x38;
	[tilespmem:$0x5B00] =	vst v63  }
0x54: {  	_ =	swait.ge [sflag:s1], $0x1A00  }
0x55: {  	[sflag:s1] =	ssyncset.done $0x0  }
0x56: {  	[sflag:s1] =	ssyncadd.s32 $0xFFFFE600  }
0x57: {  	[hbm4b:s10+s2] =	stream.linear.scatter [tilespmem:s0], [sflag:$0x1], $0x1A00, $0x38;
	[tilespmem:$0x5B00] =	vst v63  }
0x58: {  	_ =	swait.ge [sflag:s1], $0x1A00  }
0x59: {  	[sflag:s1] =	ssyncset.done $0x0  }
0x5a: {  	[sflag:s1] =	ssyncadd.s32 $0xFFFFE600  }
0x5b: {  	[tilespmem:s0], [sflag:$0x1] =	stream.linear.gather [hbm4b:s11+s2], $0x1A00, $0x38;
	[tilespmem:$0x5B00] =	vst v63  }
0x5c: {  	_ =	swait.ge [sflag:s1], $0x1A00  }
0x5d: {  	[sflag:s1] =	ssyncset.done $0x0  }
0x5e: {  	[sflag:s1] =	ssyncadd.s32 $0xFFFFE600  }
0x5f: {  	[hbm4b:s13+s2] =	stream.linear.scatter [tilespmem:s0], [sflag:$0x1], $0x1A00, $0x38;
	[tilespmem:$0x5B00] =	vst v63  }
0x60: {  	_ =	swait.ge [sflag:s1], $0x1A00  }
0x61: {  	[sflag:s1] =	ssyncset.done $0x0  }
0x62: {  	[sflag:s1] =	ssyncadd.s32 $0xFFFFE600  }
0x63: {  	[tilespmem:s0], [sflag:$0x1] =	stream.linear.gather [hbm4b:s14+s2], $0x1A00, $0x38;
	[tilespmem:$0x5B00] =	vst v63  }
0x64: {  	_ =	swait.ge [sflag:s1], $0x1A00  }
0x65: {  	[sflag:s1] =	ssyncset.done $0x0  }
0x66: {  	[sflag:s1] =	ssyncadd.s32 $0xFFFFE600  }
0x67: {  	[hbm4b:s15+s2] =	stream.linear.scatter [tilespmem:s0], [sflag:$0x1], $0x1A00, $0x38;
	[tilespmem:$0x5B00] =	vst v63  }
0x68: {  	_ =	swait.ge [sflag:s1], $0x1A00  }
0x69: {  	s20 =	simm.s32 @!p4 $0x0;
	[sflag:s1] =	ssyncset.done $0x0  }
0x6a: {  	s21 =	simm.s32 @!p4 $0x5900;
	s25 =	simm.s32 @!p4 $0x1;
	[sflag:s1] =	ssyncadd.s32 $0xFFFFE600  }
0x6b: {  	[tilespmem:s21], [sflag:$0x1] =	stream.linear.gather @!p4 [hbm4b:s16+s20], $0x180, $0x38;
	[tilespmem:$0x5B00] =	vst v63  }
0x6c: {  	_ =	swait.ge @!p4 [sflag:s25], $0x180  }
0x6d: {  	[sflag:s25] =	ssyncset.done @!p4 $0x0  }
0x6e: {  	[sflag:s25] =	ssyncadd.s32 @!p4 $0xFFFFFE80  }
0x6f: {  	[hbm4b:s17+s20] =	stream.linear.scatter @!p4 [tilespmem:s21], [sflag:$0x1], $0x180, $0x38;
	[tilespmem:$0x5B00] =	vst v63  }
0x70: {  	_ =	swait.ge @!p4 [sflag:s25], $0x180  }
0x71: {  	[sflag:s25] =	ssyncset.done @!p4 $0x0  }
0x72: {  	[sflag:s25] =	ssyncadd.s32 @!p4 $0xFFFFFE80  }
0x73: {  	[tilespmem:s23], [sflag:$0x1] =	stream.linear.gather [hbm4b:s18+s2], $0x100, $0x38;
	[tilespmem:$0x5B00] =	vst v63  }
0x74: {  	s22 =	sadd.s32 $0x0, s12;
	_ =	swait.ge [sflag:s1], $0x100  }
0x75: {  	s26 =	sand.u32 $0x100, s2;
	s25 =	sand.u32 $0x70, s2;
	[sflag:s1] =	ssyncset.done $0x0  }
0x76: {  	v2 =	vor.u32 s22, v0;
	s20 =	sor.u32 s25, s26;
	[sflag:s1] =	ssyncadd.s32 $0xFFFFFF00  }
0x77: {  	[tilespmem:s20+$0x5600] =	vst v2  }
0x78: {  	v2 =	vld [tilespmem:s23+$0x0];
	_ =	sdelay $0x1  }
0x79: {  	s29 =	simm.s32 $0x10;
	s21 =	simm.s32 $0x20  }
0x7a: {  	s28 =	sand.u32 $0x100, s21;
	s26 =	sadd.s32 $0x10, s12;
	s25 =	sand.u32 $0x70, s29  }
0x7b: {  	v3 =	vor.u32 s26, v0;
	s28 =	sor.u32 s25, s28;
	s26 =	simm.s32 $0x20;
	s25 =	simm.s32 $0x5800  }
.LBB2_2:
0x7c: {  	p2 =	sne.s32 s26, $0xF0;
	[tilespmem:s28+$0x5600] =	vst v3;
	v2 =	vadd.s32 $0x2710, v2  }
0x7d: {  	s25 =	sadd.s32 $0x10, s25;
	[tilespmem:s20+$0x5680] =	vst v2;
	s20 =	smov.u32 s28  }
.Ltmp2:
0x7e: {  	v2 =	vld [tilespmem:s25+$0x0];
	(pc) =	sbr.rel @p2 .LBB2_2-.Ltmp2, $4  }
0x7f: {  	_ = 	snop  }
0x80: {  	s21 =	sadd.s32 $0x20, s21  }
0x81: {  	s29 =	sand.u32 $0x70, s26;
	s28 =	sadd.s32 s26, s12;
	s22 =	sand.u32 $0x100, s21  }
0x82: {  	s26 =	sadd.s32 $0x10, s26;
	v3 =	vor.u32 s28, v0;
	s28 =	sor.u32 s29, s22  }
0x83: {  	[tilespmem:s28+$0x5600] =	vst v3;
	v2 =	vadd.s32 $0x2710, v2  }
0x84: {  	s26 =	sadd.s32 $0x10, s25;
	[tilespmem:s20+$0x5680] =	vst v2  }
0x85: {  	v2 =	vld [tilespmem:s26+$0x0];
	_ =	sdelay $0x4  }
0x86: {  	v2 =	vadd.s32 $0x2710, v2  }
.Ltmp3:
0x87: {  	s29 =	simm.s32 $0x5600;
	[tilespmem:s28+$0x5680] =	vst v2;
	(pc) =	sbr.rel @p5 .LBB2_7-.Ltmp3, $4  }
0x88: {  	[hbm4b:s19+s2] =	stream.linear.scatter [tilespmem:s29], [sflag:$0x1], $0x200, $0x38;
	[tilespmem:$0x5B00] =	vst v63  }
0x89: {  	_ =	swait.ge [sflag:s1], $0x200  }
0x8a: {  	[sflag:s1] =	ssyncset.done $0x0  }
0x8b: {  	[sflag:s1] =	ssyncadd.s32 $0xFFFFFE00  }
0x8c: {  	s20 =	simm.s32 $0x0;
	s21 =	rddreg [dreg:$0x7]  }
0x8d: {  	[tilespmem:s23], [sflag:$0x1] =	stream.linear.gather [hbm4b:s21+s20], $0x80, $0x38;
	[tilespmem:$0x5B00] =	vst v63  }
0x8e: {  	_ =	swait.ge [sflag:s1], $0x80  }
0x8f: {  	[sflag:s1] =	ssyncset.done $0x0  }
0x90: {  	s20 =	simm.s32 $0x0;
	[sflag:s1] =	ssyncadd.s32 $0xFFFFFF80  }
0x91: {  	v2 =	vld [tilespmem:s20+$0x5800];
	_ =	sdelay $0x2  }
0x92: {  	v3 =	vor.u32 s31, v0  }
0x93: {  	s25 =	sadd.s32 $0x10, s31;
	s21 =	simm.s32 $0x40;
	[tilespmem:s20+$0x5600] =	vst v3  }
.LBB2_5:
0x94: {  	s22 =	sshra.s32 s21, $0x2;
	p2 =	sne.s32 s21, $0x1C0;
	s21 =	sadd.s32 $0x40, s21;
	v3 =	vadd.s32 $0x2710, v2  }
.Ltmp4:
0x95: {  	v4 =	vor.u32 s25, v0;
	v2 =	vld [tilespmem:s22+$0x5800];
	[tilespmem:s20+$0x5680] =	vst v3;
	s20 =	smov.u32 s22;
	(pc) =	sbr.rel @p2 .LBB2_5-.Ltmp4, $2  }
0x96: {  	[tilespmem:s20+$0x5600] =	vst v4;
	_ =	sdelay $0x2  }
0x97: {  	s25 =	sadd.s32 $0x10, s25  }
0x98: {  	v2 =	vadd.s32 $0x2710, v2  }
0x99: {  	s29 =	rddreg [dreg:$0x8];
	s21 =	simm.s32 $0x5600;
	[tilespmem:s20+$0x5680] =	vst v2  }
0x9a: {  	[hbm4b:s29+s2] =	stream.linear.scatter [tilespmem:s21], [sflag:$0x1], $0x100, $0x38;
	[tilespmem:$0x5B00] =	vst v63  }
0x9b: {  	_ =	swait.ge [sflag:s1], $0x100  }
0x9c: {  	[sflag:s1] =	ssyncset.done $0x0  }
0x9d: {  	[sflag:s1] =	ssyncadd.s32 $0xFFFFFF00  }
.LBB2_7:
.Ltmp5:
0x9e: {  	(pc) =	sbr.rel @p0 .LBB2_13-.Ltmp5, $1  }
0x9f: {  	_ =	sdelay $0x3  }
.Ltmp6:
0xa0: {  	(pc) =	sbr.rel @p1 .LBB2_14-.Ltmp6, $1  }
0xa1: {  	_ =	sdelay $0x3  }
0xa2: {  	s20 =	sld [smem:$0x7FD];
	_ =	sdelay $0x2  }
0xa3: {  	p2 =	seq.s32 s20, $0x1  }
.Ltmp7:
0xa4: {  	_ = 	snop;
	(pc) =	sbr.rel @!p2 .LBB2_15-.Ltmp7, $2  }
0xa5: {  	_ =	sdelay $0x2  }
0xa6: {  	s21 =	simm.s32 $0x0  }
0xa7: {  	s20 =	sshra.s32 s21, $0x2;
	s21 =	sadd.s32 $0x200, s21  }
.LBB2_11:
0xa8: {  	p2 =	sne.s32 s21, $0x1E00;
	[tilespmem:s20+$0x4E70] =	vst v1  }
0xa9: {  	[tilespmem:s20+$0x4E00] =	vst v1  }
0xaa: {  	[tilespmem:s20+$0x4E10] =	vst v1  }
.Ltmp8:
0xab: {  	[tilespmem:s20+$0x4E20] =	vst v1;
	(pc) =	sbr.rel @p2 .LBB2_11-.Ltmp8, $4  }
0xac: {  	[tilespmem:s20+$0x4E30] =	vst v1  }
0xad: {  	[tilespmem:s20+$0x4E40] =	vst v1  }
0xae: {  	[tilespmem:s20+$0x4E50] =	vst v1  }
0xaf: {  	[tilespmem:s20+$0x4E60] =	vst v1;
	s20 =	sshra.s32 s21, $0x2;
	s21 =	sadd.s32 $0x200, s21  }
0xb0: {  	[tilespmem:s20+$0x4E70] =	vst v1  }
0xb1: {  	[tilespmem:s20+$0x4E00] =	vst v1  }
0xb2: {  	[tilespmem:s20+$0x4E10] =	vst v1  }
0xb3: {  	[tilespmem:s20+$0x4E20] =	vst v1  }
0xb4: {  	[tilespmem:s20+$0x4E30] =	vst v1  }
0xb5: {  	[tilespmem:s20+$0x4E40] =	vst v1  }
0xb6: {  	[tilespmem:s20+$0x4E50] =	vst v1  }
.Ltmp9:
0xb7: {  	[tilespmem:s20+$0x4E60] =	vst v1;
	s29 =	rddreg [dreg:$0xa];
	s21 =	simm.s32 $0x4E00;
	(pc) =	sbr.rel .LBB2_15-.Ltmp9, $4  }
0xb8: {  	[hbm4b:s29+s2] =	stream.linear.scatter [tilespmem:s21], [sflag:$0x1], $0x800, $0x38;
	[tilespmem:$0x5B00] =	vst v63  }
0xb9: {  	_ =	swait.ge [sflag:s1], $0x800  }
0xba: {  	[sflag:s1] =	ssyncset.done $0x0  }
0xbb: {  	[sflag:s1] =	ssyncadd.s32 $0xFFFFF800  }
.LBB2_14:
0xbc: {  	s20 =	rddreg [dreg:$0x9]  }
0xbd: {  	[tilespmem:s2], [sflag:$0x1] =	stream.linear.gather [hbm4b:s20+s2], $0x800, $0x38;
	[tilespmem:$0x5B00] =	vst v63  }
0xbe: {  	_ =	swait.ge [sflag:s1], $0x800  }
0xbf: {  	[sflag:s1] =	ssyncset.done $0x0  }
.Ltmp10:
0xc0: {  	s29 =	rddreg [dreg:$0xb];
	[sflag:s1] =	ssyncadd.s32 $0xFFFFF800;
	(pc) =	sbr.rel .LBB2_15-.Ltmp10, $4  }
0xc1: {  	[hbm4b:s29+s2] =	stream.linear.scatter [tilespmem:s2], [sflag:$0x1], $0x800, $0x38;
	[tilespmem:$0x5B00] =	vst v63  }
0xc2: {  	_ =	swait.ge [sflag:s1], $0x800  }
0xc3: {  	[sflag:s1] =	ssyncset.done $0x0  }
0xc4: {  	[sflag:s1] =	ssyncadd.s32 $0xFFFFF800  }
.LBB2_16:
0xc5: {  	_ =	sfence.sel $0x180000  }
0xc6: {  	[bflag:$0x0] =	sbarrier.arrive $0xFFFF  }
0xc7: {  	_ =	strace $0x90000047  }
0xc8: {  	s0 =	stileid.u32;
	[bflag:$0x2] =	sbarrier.arrive $0xFFFF  }
0xc9: {  	p0 =	sne.s32 s0, $0x0;
	s0 =	rddreg [dreg:$0x6]  }
0xca: {  	s0 =	sadd.s32 @!p0 $0x100000, s0  }
0xcb: {  	[sflag:s0] =	ssyncadd.tile.s32 @!p0 $0x1;
	_ =	shalt  }
.Lfunc_end2:
_tile_overlayer_lowered:
.L_overlay_start_2:
0xcc: {  	(tag) =	ssettag $0x2  }
0xcd: {  	s0 =	rddreg [dreg:$0x0];
	s2 =	stileid.u32  }
0xce: {  	s1 =	rddreg [dreg:$0x1];
	p0 =	sne.s32 s2, $0x0  }
0xcf: {  	s3 =	rddreg [dreg:$0x2];
	[bflag:$0x3] =	sbarrier.arrive $0xFFFF;
	s2 =	simm.s32 @!p0 $0x1C01  }
0xd0: {  	[timem:s3], [sflag:s2] =	dma.local @!p0 [hbm:s0], s1  }
0xd1: {  	s0 =	simm.s32 @!p0 $0x1  }
0xd2: {  	_ =	swait.ge @!p0 [sflag:s0], s1  }
0xd3: {  	s1 =	ssub.s32 @!p0 $0x0, s1;
	[sflag:s0] =	ssyncset.done @!p0 $0x0  }
0xd4: {  	[sflag:s0] =	ssyncadd.s32 @!p0 s1  }
0xd5: {  	[bflag:$0x3] =	sbarrier.arrive $0xFFFF  }
0xd6: {  	_ =	shalt  }

</sc_bundles>
